<compile_context>
chip_gen: v7x
topology: tpu7x:2x2x1
jax: 0.10.2.dev20260603
libtpu: 0.0.44.dev20260713+nightly
codegen_flags: <defaults>
</compile_context>

<pallas_src>
import functools

import jax
import jax.numpy as jnp
from jax import lax
from jax.experimental import pallas as pl
from jax.experimental.pallas import tpu as pltpu
from jax.experimental.pallas import tpu_sc as plsc

VOCAB = 1000
VOCAB_PAD = 1024
EMBED_DIM = 128
CHUNK = 32


def _table_kernel(e_ref, w_ref, bias_ref, out_ref):
    acc = lax.dot_general(
        e_ref[...],
        w_ref[...],
        dimension_numbers=(((1,), (1,)), ((), ())),
        preferred_element_type=jnp.float32,
        precision=lax.Precision.HIGHEST,
    )
    out_ref[...] = acc + bias_ref[...]


def _make_table(embed_table, W, b):
    w_pad = jnp.zeros((VOCAB_PAD, EMBED_DIM), jnp.float32).at[:VOCAB].set(W)
    b_pad = jnp.zeros((1, VOCAB_PAD), jnp.float32).at[0, :VOCAB].set(b)
    return pl.pallas_call(
        _table_kernel,
        out_shape=jax.ShapeDtypeStruct((VOCAB, VOCAB_PAD), jnp.float32),
    )(embed_table, w_pad, b_pad)


def _gather_fn(n_tokens):
    info = plsc.get_sparse_core_info()
    nc, ns = info.num_cores, info.num_subcores
    nw = nc * ns
    assert n_tokens % (nw * CHUNK) == 0
    nchunk = n_tokens // (nw * CHUNK)
    mesh = plsc.VectorSubcoreMesh(core_axis_name="c", subcore_axis_name="s")

    @functools.partial(
        pl.kernel,
        mesh=mesh,
        out_type=jax.ShapeDtypeStruct((n_tokens, VOCAB_PAD), jnp.float32),
        scratch_types=[
            pltpu.VMEM((nchunk, CHUNK), jnp.int32),
            pltpu.VMEM((CHUNK, VOCAB_PAD), jnp.float32),
            pltpu.VMEM((CHUNK, VOCAB_PAD), jnp.float32),
            pltpu.VMEM((CHUNK, VOCAB_PAD), jnp.float32),
            pltpu.SemaphoreType.DMA,
            pltpu.SemaphoreType.DMA,
            pltpu.SemaphoreType.DMA,
            pltpu.SemaphoreType.DMA,
            pltpu.SemaphoreType.DMA,
            pltpu.SemaphoreType.DMA,
        ],
    )
    def gather(idx_hbm, table_hbm, out_hbm,
               idx_v, rows0, rows1, rows2,
               semg0, semg1, semg2, sems0, sems1, sems2):
        wid = lax.axis_index("s") * nc + lax.axis_index("c")
        base = wid * (nchunk * CHUNK)
        pltpu.sync_copy(idx_hbm.at[wid], idx_v)

        def fire_gather(c, rows, sem):
            pltpu.async_copy(table_hbm.at[idx_v.at[c]], rows, sem)

        def wait_gather(c, rows, sem):
            pltpu.make_async_copy(table_hbm.at[idx_v.at[c]], rows, sem).wait()

        def fire_stores(c, rows, sem):
            pltpu.async_copy(rows, out_hbm.at[pl.ds(base + c * CHUNK, CHUNK)],
                             sem)

        def wait_stores(c, rows, sem):
            pltpu.make_async_copy(
                rows, out_hbm.at[pl.ds(base + c * CHUNK, CHUNK)], sem).wait()

        bufs = ((rows0, semg0, sems0), (rows1, semg1, sems1),
                (rows2, semg2, sems2))
        fire_gather(0, rows0, semg0)
        fire_gather(1, rows1, semg1)

        def body(c, carry):
            phase = lax.rem(c, 3)

            def step(p):
                rows_p, semg_p, sems_p = bufs[p]
                rows_q, semg_q, sems_q = bufs[(p + 2) % 3]

                @pl.when(c >= 1)
                def _():
                    wait_stores(c - 1, rows_q, sems_q)

                @pl.when(c + 2 < nchunk)
                def _():
                    fire_gather(c + 2, rows_q, semg_q)

                wait_gather(c, rows_p, semg_p)
                fire_stores(c, rows_p, sems_p)

            @pl.when(phase == 0)
            def _():
                step(0)

            @pl.when(phase == 1)
            def _():
                step(1)

            @pl.when(phase == 2)
            def _():
                step(2)

            return carry

        lax.fori_loop(0, nchunk, body, 0)
        last = nchunk - 1
        rows_l, _, sems_l = bufs[last % 3]
        wait_stores(last, rows_l, sems_l)

    return gather


def kernel(x, embed_table, W, b):
    B, L = x.shape
    n_tokens = B * L
    table = _make_table(embed_table, W, b)
    info = plsc.get_sparse_core_info()
    nw = info.num_cores * info.num_subcores
    idx = x.reshape(nw, n_tokens // (nw * CHUNK), CHUNK).astype(jnp.int32)
    out = _gather_fn(n_tokens)(idx, table)
    return out[:, :VOCAB].reshape(B, L, VOCAB)

# --- scband reference (transcript-rebuilt; emitter-appended) ---
"""Pipeline reference for scband-toy-model-44710609551753 (READ-ONLY COPY).

The authoritative reference and input builder live on the scoring server;
editing this copy changes nothing except your own understanding.
"""

import jax, jax.numpy as jnp
import numpy as np

VOCAB = 1000
EMBED_DIM = 128
B = 4096
L = 20

def setup_inputs(seed: int = 0) -> dict:
    key = jax.random.key(seed)
    k1, k2, k3, k4 = jax.random.split(key, 4)
    x = jax.random.randint(k1, (B, L), 0, VOCAB, dtype=jnp.int64)
    embed_table = jax.random.normal(k2, (VOCAB, EMBED_DIM), dtype=jnp.float32)
    # nn.Linear(embed_dim, vocab_size): weight [vocab, embed_dim], bias [vocab]
    bound = 1.0 / np.sqrt(EMBED_DIM)
    W = jax.random.uniform(k3, (VOCAB, EMBED_DIM), dtype=jnp.float32, minval=-bound, maxval=bound)
    b = jax.random.uniform(k4, (VOCAB,), dtype=jnp.float32, minval=-bound, maxval=bound)
    return {"x": x, "embed_table": embed_table, "W": W, "b": b}

def reference(x, embed_table, W, b):
    # Embedding lookup (gather)
    out = jnp.take(embed_table, x, axis=0)  # [B, L, embed_dim]
    # Linear: out @ W^T + b
    out = jnp.einsum('ble,ve->blv', out, W) + b  # [B, L, vocab]
    return out

if __name__ == "__main__":
    import jax
    _d = setup_inputs()
    print(jax.jit(kernel)(*tuple(_d.values())))

</pallas_src>

<mosaic_0001>
#map = affine_map<(d0, d1) -> (0, 0, 0)>
#map1 = affine_map<(d0, d1) -> (0, 0)>
module attributes {stable_mosaic.version = 14 : i64} {
  func.func @gather(%arg0: i32, %arg1: i32, %arg2: memref<32x80x32xi32, #tpu.memory_space<hbm>>, %arg3: memref<1000x1024xf32, #tpu.memory_space<hbm>>, %arg4: memref<81920x1024xf32, #tpu.memory_space<hbm>>, %arg5: memref<80x32xi32, #tpu.memory_space<vmem>>, %arg6: memref<32x1024xf32, #tpu.memory_space<vmem>>, %arg7: memref<32x1024xf32, #tpu.memory_space<vmem>>, %arg8: memref<32x1024xf32, #tpu.memory_space<vmem>>, %arg9: memref<!tpu.dma_semaphore, #tpu.memory_space<semaphore_mem>>, %arg10: memref<!tpu.dma_semaphore, #tpu.memory_space<semaphore_mem>>, %arg11: memref<!tpu.dma_semaphore, #tpu.memory_space<semaphore_mem>>, %arg12: memref<!tpu.dma_semaphore, #tpu.memory_space<semaphore_mem>>, %arg13: memref<!tpu.dma_semaphore, #tpu.memory_space<semaphore_mem>>, %arg14: memref<!tpu.dma_semaphore, #tpu.memory_space<semaphore_mem>>) attributes {dimension_semantics = [#tpu.dimension_semantics<core_parallel>, #tpu.dimension_semantics<subcore_parallel>], iteration_bounds = array<i64: 2, 16>, scalar_prefetch = 0 : i64, scratch_operands = 10 : i64, tpu.core_type = #tpu.core_type<sc_vector_subcore>, window_params = [{transform_indices = #map}, {transform_indices = #map1}, {transform_indices = #map1}]} {
    %mul3A = arith.constant 2 : i32
    %mul3A_0 = arith.muli %arg1, %mul3A : i32
    %add3A = arith.addi %mul3A_0, %arg0 : i32
    %mul3A_1 = arith.constant 2560 : i32
    %mul3A_2 = arith.muli %add3A, %mul3A_1 : i32
    "tpu.region"() ({
      %run_scoped3A = tpu.sem_alloc : memref<!tpu.dma_semaphore, #tpu.memory_space<semaphore_mem>>
      %dma_start3A_26 = arith.constant 0 : i32
      %dma_start3A_27 = arith.constant 0 : i32
      %dma_start3A_28 = tpu.memref_slice %arg2[%add3A, %dma_start3A_26, %dma_start3A_27] : memref<32x80x32xi32, #tpu.memory_space<hbm>> -> memref<1x80x32xi32, #tpu.memory_space<hbm>>
      %dma_start3A_29 = tpu.memref_squeeze %dma_start3A_28 : memref<1x80x32xi32, #tpu.memory_space<hbm>> -> memref<80x32xi32, #tpu.memory_space<hbm>>
      %dma_start3A_30 = arith.constant 0 : i32
      %dma_start3A_31 = arith.constant 0 : i32
      %dma_start3A_32 = tpu.memref_slice %arg2[%add3A, %dma_start3A_30, %dma_start3A_31] : memref<32x80x32xi32, #tpu.memory_space<hbm>> -> memref<1x80x32xi32, #tpu.memory_space<hbm>>
      %dma_start3A_33 = tpu.memref_squeeze %dma_start3A_32 : memref<1x80x32xi32, #tpu.memory_space<hbm>> -> memref<80x32xi32, #tpu.memory_space<hbm>>
      tpu.enqueue_dma source(%dma_start3A_33 : memref<80x32xi32, #tpu.memory_space<hbm>>) target(%arg5 : memref<80x32xi32, #tpu.memory_space<vmem>>) target_semaphore(%run_scoped3A : memref<!tpu.dma_semaphore, #tpu.memory_space<semaphore_mem>>)
      %dma_wait3A_34 = arith.constant 0 : i32
      %dma_wait3A_35 = arith.constant 0 : i32
      %dma_wait3A_36 = tpu.memref_slice %arg2[%add3A, %dma_wait3A_34, %dma_wait3A_35] : memref<32x80x32xi32, #tpu.memory_space<hbm>> -> memref<1x80x32xi32, #tpu.memory_space<hbm>>
      %dma_wait3A_37 = tpu.memref_squeeze %dma_wait3A_36 : memref<1x80x32xi32, #tpu.memory_space<hbm>> -> memref<80x32xi32, #tpu.memory_space<hbm>>
      %dma_wait3A_38 = arith.constant 0 : i32
      %dma_wait3A_39 = arith.constant 0 : i32
      %dma_wait3A_40 = tpu.memref_slice %arg2[%add3A, %dma_wait3A_38, %dma_wait3A_39] : memref<32x80x32xi32, #tpu.memory_space<hbm>> -> memref<1x80x32xi32, #tpu.memory_space<hbm>>
      %dma_wait3A_41 = tpu.memref_squeeze %dma_wait3A_40 : memref<1x80x32xi32, #tpu.memory_space<hbm>> -> memref<80x32xi32, #tpu.memory_space<hbm>>
      tpu.wait_dma2 semaphore(%run_scoped3A : memref<!tpu.dma_semaphore, #tpu.memory_space<semaphore_mem>>) src(%dma_wait3A_41 : memref<80x32xi32, #tpu.memory_space<hbm>>) dst(%arg5 : memref<80x32xi32, #tpu.memory_space<vmem>>)
      tpu.yield
    }) : () -> ()
    %dma_start3A = arith.constant 0 : i32
    %dma_start3A_3 = arith.constant 0 : i32
    %dma_start3A_4 = tpu.memref_slice %arg5[%dma_start3A, %dma_start3A_3] : memref<80x32xi32, #tpu.memory_space<vmem>> -> memref<1x32xi32, #tpu.memory_space<vmem>>
    %dma_start3A_5 = tpu.memref_squeeze %dma_start3A_4 : memref<1x32xi32, #tpu.memory_space<vmem>> -> memref<32xi32, #tpu.memory_space<vmem>>
    %dma_start3A_6 = arith.constant 0 : i32
    %dma_start3A_7 = arith.constant 0 : i32
    %dma_start3A_8 = tpu.memref_slice %arg3[%dma_start3A_6, %dma_start3A_7] : memref<1000x1024xf32, #tpu.memory_space<hbm>> -> memref<1000x1024xf32, #tpu.memory_space<hbm>>
    tpu.enqueue_indirect_dma source(%dma_start3A_8 : memref<1000x1024xf32, #tpu.memory_space<hbm>>) target(%arg6 : memref<32x1024xf32, #tpu.memory_space<vmem>>) offsets(%dma_start3A_5 : memref<32xi32, #tpu.memory_space<vmem>>) semaphore(%arg9 : memref<!tpu.dma_semaphore, #tpu.memory_space<semaphore_mem>>)
    %dma_start3A_9 = arith.constant 1 : i32
    %dma_start3A_10 = arith.constant 0 : i32
    %dma_start3A_11 = tpu.memref_slice %arg5[%dma_start3A_9, %dma_start3A_10] : memref<80x32xi32, #tpu.memory_space<vmem>> -> memref<1x32xi32, #tpu.memory_space<vmem>>
    %dma_start3A_12 = tpu.memref_squeeze %dma_start3A_11 : memref<1x32xi32, #tpu.memory_space<vmem>> -> memref<32xi32, #tpu.memory_space<vmem>>
    %dma_start3A_13 = arith.constant 0 : i32
    %dma_start3A_14 = arith.constant 0 : i32
    %dma_start3A_15 = tpu.memref_slice %arg3[%dma_start3A_13, %dma_start3A_14] : memref<1000x1024xf32, #tpu.memory_space<hbm>> -> memref<1000x1024xf32, #tpu.memory_space<hbm>>
    tpu.enqueue_indirect_dma source(%dma_start3A_15 : memref<1000x1024xf32, #tpu.memory_space<hbm>>) target(%arg7 : memref<32x1024xf32, #tpu.memory_space<vmem>>) offsets(%dma_start3A_12 : memref<32xi32, #tpu.memory_space<vmem>>) semaphore(%arg10 : memref<!tpu.dma_semaphore, #tpu.memory_space<semaphore_mem>>)
    %scan3A = arith.constant 0 : i32
    %scan3A_16 = arith.constant 0 : i32
    %scan3A_17 = arith.constant 80 : i32
    %scan3A_18 = arith.addi %scan3A_16, %scan3A_17 : i32
    %scan3A_19 = arith.constant 1 : i32
    scf.for %scan3A_26 = %scan3A_16 to %scan3A_18 step %scan3A_19  : i32 {
      %rem3A = arith.constant 3 : i32
      %rem3A_27 = arith.remsi %scan3A_26, %rem3A : i32
      %eq3A = arith.constant 0 : i32
      %eq3A_28 = arith.cmpi eq, %rem3A_27, %eq3A : i32
      %convert_element_type3A = arith.extui %eq3A_28 : i1 to i32
      %cond3A = arith.constant 0 : i32
      %cond3A_29 = arith.cmpi ne, %convert_element_type3A, %cond3A : i32
      scf.if %cond3A_29 {
        %ge3A = arith.constant 1 : i32
        %ge3A_40 = arith.cmpi sge, %scan3A_26, %ge3A : i32
        %convert_element_type3A_41 = arith.extui %ge3A_40 : i1 to i32
        %cond3A_42 = arith.constant 0 : i32
        %cond3A_43 = arith.cmpi ne, %convert_element_type3A_41, %cond3A_42 : i32
        scf.if %cond3A_43 {
          %sub3A = arith.constant 1 : i32
          %sub3A_63 = arith.subi %scan3A_26, %sub3A : i32
          %mul3A_64 = arith.constant 32 : i32
          %mul3A_65 = arith.muli %sub3A_63, %mul3A_64 : i32
          %add3A_66 = arith.addi %mul3A_2, %mul3A_65 : i32
          %dma_wait3A_67 = arith.constant 0 : i32
          %dma_wait3A_68 = tpu.memref_slice %arg4[%add3A_66, %dma_wait3A_67] : memref<81920x1024xf32, #tpu.memory_space<hbm>> -> memref<32x1024xf32, #tpu.memory_space<hbm>>
          %dma_wait3A_69 = arith.constant 0 : i32
          %dma_wait3A_70 = tpu.memref_slice %arg4[%add3A_66, %dma_wait3A_69] : memref<81920x1024xf32, #tpu.memory_space<hbm>> -> memref<32x1024xf32, #tpu.memory_space<hbm>>
          tpu.wait_dma2 semaphore(%arg14 : memref<!tpu.dma_semaphore, #tpu.memory_space<semaphore_mem>>) src(%arg8 : memref<32x1024xf32, #tpu.memory_space<vmem>>) dst(%dma_wait3A_70 : memref<32x1024xf32, #tpu.memory_space<hbm>>)
        } else {
        }
        %add3A_44 = arith.constant 2 : i32
        %add3A_45 = arith.addi %scan3A_26, %add3A_44 : i32
        %lt3A = arith.constant 80 : i32
        %lt3A_46 = arith.cmpi slt, %add3A_45, %lt3A : i32
        %convert_element_type3A_47 = arith.extui %lt3A_46 : i1 to i32
        %cond3A_48 = arith.constant 0 : i32
        %cond3A_49 = arith.cmpi ne, %convert_element_type3A_47, %cond3A_48 : i32
        scf.if %cond3A_49 {
          %add3A_63 = arith.constant 2 : i32
          %add3A_64 = arith.addi %scan3A_26, %add3A_63 : i32
          %dma_start3A_65 = arith.constant 0 : i32
          %dma_start3A_66 = tpu.memref_slice %arg5[%add3A_64, %dma_start3A_65] : memref<80x32xi32, #tpu.memory_space<vmem>> -> memref<1x32xi32, #tpu.memory_space<vmem>>
          %dma_start3A_67 = tpu.memref_squeeze %dma_start3A_66 : memref<1x32xi32, #tpu.memory_space<vmem>> -> memref<32xi32, #tpu.memory_space<vmem>>
          %dma_start3A_68 = arith.constant 0 : i32
          %dma_start3A_69 = arith.constant 0 : i32
          %dma_start3A_70 = tpu.memref_slice %arg3[%dma_start3A_68, %dma_start3A_69] : memref<1000x1024xf32, #tpu.memory_space<hbm>> -> memref<1000x1024xf32, #tpu.memory_space<hbm>>
          tpu.enqueue_indirect_dma source(%dma_start3A_70 : memref<1000x1024xf32, #tpu.memory_space<hbm>>) target(%arg8 : memref<32x1024xf32, #tpu.memory_space<vmem>>) offsets(%dma_start3A_67 : memref<32xi32, #tpu.memory_space<vmem>>) semaphore(%arg11 : memref<!tpu.dma_semaphore, #tpu.memory_space<semaphore_mem>>)
        } else {
        }
        %dma_wait3A_50 = arith.constant 0 : i32
        %dma_wait3A_51 = tpu.memref_slice %arg5[%scan3A_26, %dma_wait3A_50] : memref<80x32xi32, #tpu.memory_space<vmem>> -> memref<1x32xi32, #tpu.memory_space<vmem>>
        %dma_wait3A_52 = tpu.memref_squeeze %dma_wait3A_51 : memref<1x32xi32, #tpu.memory_space<vmem>> -> memref<32xi32, #tpu.memory_space<vmem>>
        %dma_wait3A_53 = arith.constant 0 : i32
        %dma_wait3A_54 = arith.constant 0 : i32
        %dma_wait3A_55 = tpu.memref_slice %arg3[%dma_wait3A_53, %dma_wait3A_54] : memref<1000x1024xf32, #tpu.memory_space<hbm>> -> memref<1000x1024xf32, #tpu.memory_space<hbm>>
        tpu.wait_indirect_dma semaphore(%arg9 : memref<!tpu.dma_semaphore, #tpu.memory_space<semaphore_mem>>) src(%dma_wait3A_55 : memref<1000x1024xf32, #tpu.memory_space<hbm>>) dst(%arg6 : memref<32x1024xf32, #tpu.memory_space<vmem>>)
        %mul3A_56 = arith.constant 32 : i32
        %mul3A_57 = arith.muli %scan3A_26, %mul3A_56 : i32
        %add3A_58 = arith.addi %mul3A_2, %mul3A_57 : i32
        %dma_start3A_59 = arith.constant 0 : i32
        %dma_start3A_60 = tpu.memref_slice %arg4[%add3A_58, %dma_start3A_59] : memref<81920x1024xf32, #tpu.memory_space<hbm>> -> memref<32x1024xf32, #tpu.memory_space<hbm>>
        %dma_start3A_61 = arith.constant 0 : i32
        %dma_start3A_62 = tpu.memref_slice %arg4[%add3A_58, %dma_start3A_61] : memref<81920x1024xf32, #tpu.memory_space<hbm>> -> memref<32x1024xf32, #tpu.memory_space<hbm>>
        tpu.enqueue_dma source(%arg6 : memref<32x1024xf32, #tpu.memory_space<vmem>>) target(%dma_start3A_62 : memref<32x1024xf32, #tpu.memory_space<hbm>>) target_semaphore(%arg12 : memref<!tpu.dma_semaphore, #tpu.memory_space<semaphore_mem>>)
      } else {
      }
      %eq3A_30 = arith.constant 1 : i32
      %eq3A_31 = arith.cmpi eq, %rem3A_27, %eq3A_30 : i32
      %convert_element_type3A_32 = arith.extui %eq3A_31 : i1 to i32
      %cond3A_33 = arith.constant 0 : i32
      %cond3A_34 = arith.cmpi ne, %convert_element_type3A_32, %cond3A_33 : i32
      scf.if %cond3A_34 {
        %ge3A = arith.constant 1 : i32
        %ge3A_40 = arith.cmpi sge, %scan3A_26, %ge3A : i32
        %convert_element_type3A_41 = arith.extui %ge3A_40 : i1 to i32
        %cond3A_42 = arith.constant 0 : i32
        %cond3A_43 = arith.cmpi ne, %convert_element_type3A_41, %cond3A_42 : i32
        scf.if %cond3A_43 {
          %sub3A = arith.constant 1 : i32
          %sub3A_63 = arith.subi %scan3A_26, %sub3A : i32
          %mul3A_64 = arith.constant 32 : i32
          %mul3A_65 = arith.muli %sub3A_63, %mul3A_64 : i32
          %add3A_66 = arith.addi %mul3A_2, %mul3A_65 : i32
          %dma_wait3A_67 = arith.constant 0 : i32
          %dma_wait3A_68 = tpu.memref_slice %arg4[%add3A_66, %dma_wait3A_67] : memref<81920x1024xf32, #tpu.memory_space<hbm>> -> memref<32x1024xf32, #tpu.memory_space<hbm>>
          %dma_wait3A_69 = arith.constant 0 : i32
          %dma_wait3A_70 = tpu.memref_slice %arg4[%add3A_66, %dma_wait3A_69] : memref<81920x1024xf32, #tpu.memory_space<hbm>> -> memref<32x1024xf32, #tpu.memory_space<hbm>>
          tpu.wait_dma2 semaphore(%arg12 : memref<!tpu.dma_semaphore, #tpu.memory_space<semaphore_mem>>) src(%arg6 : memref<32x1024xf32, #tpu.memory_space<vmem>>) dst(%dma_wait3A_70 : memref<32x1024xf32, #tpu.memory_space<hbm>>)
        } else {
        }
        %add3A_44 = arith.constant 2 : i32
        %add3A_45 = arith.addi %scan3A_26, %add3A_44 : i32
        %lt3A = arith.constant 80 : i32
        %lt3A_46 = arith.cmpi slt, %add3A_45, %lt3A : i32
        %convert_element_type3A_47 = arith.extui %lt3A_46 : i1 to i32
        %cond3A_48 = arith.constant 0 : i32
        %cond3A_49 = arith.cmpi ne, %convert_element_type3A_47, %cond3A_48 : i32
        scf.if %cond3A_49 {
          %add3A_63 = arith.constant 2 : i32
          %add3A_64 = arith.addi %scan3A_26, %add3A_63 : i32
          %dma_start3A_65 = arith.constant 0 : i32
          %dma_start3A_66 = tpu.memref_slice %arg5[%add3A_64, %dma_start3A_65] : memref<80x32xi32, #tpu.memory_space<vmem>> -> memref<1x32xi32, #tpu.memory_space<vmem>>
          %dma_start3A_67 = tpu.memref_squeeze %dma_start3A_66 : memref<1x32xi32, #tpu.memory_space<vmem>> -> memref<32xi32, #tpu.memory_space<vmem>>
          %dma_start3A_68 = arith.constant 0 : i32
          %dma_start3A_69 = arith.constant 0 : i32
          %dma_start3A_70 = tpu.memref_slice %arg3[%dma_start3A_68, %dma_start3A_69] : memref<1000x1024xf32, #tpu.memory_space<hbm>> -> memref<1000x1024xf32, #tpu.memory_space<hbm>>
          tpu.enqueue_indirect_dma source(%dma_start3A_70 : memref<1000x1024xf32, #tpu.memory_space<hbm>>) target(%arg6 : memref<32x1024xf32, #tpu.memory_space<vmem>>) offsets(%dma_start3A_67 : memref<32xi32, #tpu.memory_space<vmem>>) semaphore(%arg9 : memref<!tpu.dma_semaphore, #tpu.memory_space<semaphore_mem>>)
        } else {
        }
        %dma_wait3A_50 = arith.constant 0 : i32
        %dma_wait3A_51 = tpu.memref_slice %arg5[%scan3A_26, %dma_wait3A_50] : memref<80x32xi32, #tpu.memory_space<vmem>> -> memref<1x32xi32, #tpu.memory_space<vmem>>
        %dma_wait3A_52 = tpu.memref_squeeze %dma_wait3A_51 : memref<1x32xi32, #tpu.memory_space<vmem>> -> memref<32xi32, #tpu.memory_space<vmem>>
        %dma_wait3A_53 = arith.constant 0 : i32
        %dma_wait3A_54 = arith.constant 0 : i32
        %dma_wait3A_55 = tpu.memref_slice %arg3[%dma_wait3A_53, %dma_wait3A_54] : memref<1000x1024xf32, #tpu.memory_space<hbm>> -> memref<1000x1024xf32, #tpu.memory_space<hbm>>
        tpu.wait_indirect_dma semaphore(%arg10 : memref<!tpu.dma_semaphore, #tpu.memory_space<semaphore_mem>>) src(%dma_wait3A_55 : memref<1000x1024xf32, #tpu.memory_space<hbm>>) dst(%arg7 : memref<32x1024xf32, #tpu.memory_space<vmem>>)
        %mul3A_56 = arith.constant 32 : i32
        %mul3A_57 = arith.muli %scan3A_26, %mul3A_56 : i32
        %add3A_58 = arith.addi %mul3A_2, %mul3A_57 : i32
        %dma_start3A_59 = arith.constant 0 : i32
        %dma_start3A_60 = tpu.memref_slice %arg4[%add3A_58, %dma_start3A_59] : memref<81920x1024xf32, #tpu.memory_space<hbm>> -> memref<32x1024xf32, #tpu.memory_space<hbm>>
        %dma_start3A_61 = arith.constant 0 : i32
        %dma_start3A_62 = tpu.memref_slice %arg4[%add3A_58, %dma_start3A_61] : memref<81920x1024xf32, #tpu.memory_space<hbm>> -> memref<32x1024xf32, #tpu.memory_space<hbm>>
        tpu.enqueue_dma source(%arg7 : memref<32x1024xf32, #tpu.memory_space<vmem>>) target(%dma_start3A_62 : memref<32x1024xf32, #tpu.memory_space<hbm>>) target_semaphore(%arg13 : memref<!tpu.dma_semaphore, #tpu.memory_space<semaphore_mem>>)
      } else {
      }
      %eq3A_35 = arith.constant 2 : i32
      %eq3A_36 = arith.cmpi eq, %rem3A_27, %eq3A_35 : i32
      %convert_element_type3A_37 = arith.extui %eq3A_36 : i1 to i32
      %cond3A_38 = arith.constant 0 : i32
      %cond3A_39 = arith.cmpi ne, %convert_element_type3A_37, %cond3A_38 : i32
      scf.if %cond3A_39 {
        %ge3A = arith.constant 1 : i32
        %ge3A_40 = arith.cmpi sge, %scan3A_26, %ge3A : i32
        %convert_element_type3A_41 = arith.extui %ge3A_40 : i1 to i32
        %cond3A_42 = arith.constant 0 : i32
        %cond3A_43 = arith.cmpi ne, %convert_element_type3A_41, %cond3A_42 : i32
        scf.if %cond3A_43 {
          %sub3A = arith.constant 1 : i32
          %sub3A_63 = arith.subi %scan3A_26, %sub3A : i32
          %mul3A_64 = arith.constant 32 : i32
          %mul3A_65 = arith.muli %sub3A_63, %mul3A_64 : i32
          %add3A_66 = arith.addi %mul3A_2, %mul3A_65 : i32
          %dma_wait3A_67 = arith.constant 0 : i32
          %dma_wait3A_68 = tpu.memref_slice %arg4[%add3A_66, %dma_wait3A_67] : memref<81920x1024xf32, #tpu.memory_space<hbm>> -> memref<32x1024xf32, #tpu.memory_space<hbm>>
          %dma_wait3A_69 = arith.constant 0 : i32
          %dma_wait3A_70 = tpu.memref_slice %arg4[%add3A_66, %dma_wait3A_69] : memref<81920x1024xf32, #tpu.memory_space<hbm>> -> memref<32x1024xf32, #tpu.memory_space<hbm>>
          tpu.wait_dma2 semaphore(%arg13 : memref<!tpu.dma_semaphore, #tpu.memory_space<semaphore_mem>>) src(%arg7 : memref<32x1024xf32, #tpu.memory_space<vmem>>) dst(%dma_wait3A_70 : memref<32x1024xf32, #tpu.memory_space<hbm>>)
        } else {
        }
        %add3A_44 = arith.constant 2 : i32
        %add3A_45 = arith.addi %scan3A_26, %add3A_44 : i32
        %lt3A = arith.constant 80 : i32
        %lt3A_46 = arith.cmpi slt, %add3A_45, %lt3A : i32
        %convert_element_type3A_47 = arith.extui %lt3A_46 : i1 to i32
        %cond3A_48 = arith.constant 0 : i32
        %cond3A_49 = arith.cmpi ne, %convert_element_type3A_47, %cond3A_48 : i32
        scf.if %cond3A_49 {
          %add3A_63 = arith.constant 2 : i32
          %add3A_64 = arith.addi %scan3A_26, %add3A_63 : i32
          %dma_start3A_65 = arith.constant 0 : i32
          %dma_start3A_66 = tpu.memref_slice %arg5[%add3A_64, %dma_start3A_65] : memref<80x32xi32, #tpu.memory_space<vmem>> -> memref<1x32xi32, #tpu.memory_space<vmem>>
          %dma_start3A_67 = tpu.memref_squeeze %dma_start3A_66 : memref<1x32xi32, #tpu.memory_space<vmem>> -> memref<32xi32, #tpu.memory_space<vmem>>
          %dma_start3A_68 = arith.constant 0 : i32
          %dma_start3A_69 = arith.constant 0 : i32
          %dma_start3A_70 = tpu.memref_slice %arg3[%dma_start3A_68, %dma_start3A_69] : memref<1000x1024xf32, #tpu.memory_space<hbm>> -> memref<1000x1024xf32, #tpu.memory_space<hbm>>
          tpu.enqueue_indirect_dma source(%dma_start3A_70 : memref<1000x1024xf32, #tpu.memory_space<hbm>>) target(%arg7 : memref<32x1024xf32, #tpu.memory_space<vmem>>) offsets(%dma_start3A_67 : memref<32xi32, #tpu.memory_space<vmem>>) semaphore(%arg10 : memref<!tpu.dma_semaphore, #tpu.memory_space<semaphore_mem>>)
        } else {
        }
        %dma_wait3A_50 = arith.constant 0 : i32
        %dma_wait3A_51 = tpu.memref_slice %arg5[%scan3A_26, %dma_wait3A_50] : memref<80x32xi32, #tpu.memory_space<vmem>> -> memref<1x32xi32, #tpu.memory_space<vmem>>
        %dma_wait3A_52 = tpu.memref_squeeze %dma_wait3A_51 : memref<1x32xi32, #tpu.memory_space<vmem>> -> memref<32xi32, #tpu.memory_space<vmem>>
        %dma_wait3A_53 = arith.constant 0 : i32
        %dma_wait3A_54 = arith.constant 0 : i32
        %dma_wait3A_55 = tpu.memref_slice %arg3[%dma_wait3A_53, %dma_wait3A_54] : memref<1000x1024xf32, #tpu.memory_space<hbm>> -> memref<1000x1024xf32, #tpu.memory_space<hbm>>
        tpu.wait_indirect_dma semaphore(%arg11 : memref<!tpu.dma_semaphore, #tpu.memory_space<semaphore_mem>>) src(%dma_wait3A_55 : memref<1000x1024xf32, #tpu.memory_space<hbm>>) dst(%arg8 : memref<32x1024xf32, #tpu.memory_space<vmem>>)
        %mul3A_56 = arith.constant 32 : i32
        %mul3A_57 = arith.muli %scan3A_26, %mul3A_56 : i32
        %add3A_58 = arith.addi %mul3A_2, %mul3A_57 : i32
        %dma_start3A_59 = arith.constant 0 : i32
        %dma_start3A_60 = tpu.memref_slice %arg4[%add3A_58, %dma_start3A_59] : memref<81920x1024xf32, #tpu.memory_space<hbm>> -> memref<32x1024xf32, #tpu.memory_space<hbm>>
        %dma_start3A_61 = arith.constant 0 : i32
        %dma_start3A_62 = tpu.memref_slice %arg4[%add3A_58, %dma_start3A_61] : memref<81920x1024xf32, #tpu.memory_space<hbm>> -> memref<32x1024xf32, #tpu.memory_space<hbm>>
        tpu.enqueue_dma source(%arg8 : memref<32x1024xf32, #tpu.memory_space<vmem>>) target(%dma_start3A_62 : memref<32x1024xf32, #tpu.memory_space<hbm>>) target_semaphore(%arg14 : memref<!tpu.dma_semaphore, #tpu.memory_space<semaphore_mem>>)
      } else {
      }
    }
    %scan3A_20 = arith.constant 80 : i32
    %add3A_21 = arith.constant 2528 : i32
    %add3A_22 = arith.addi %mul3A_2, %add3A_21 : i32
    %dma_wait3A = arith.constant 0 : i32
    %dma_wait3A_23 = tpu.memref_slice %arg4[%add3A_22, %dma_wait3A] : memref<81920x1024xf32, #tpu.memory_space<hbm>> -> memref<32x1024xf32, #tpu.memory_space<hbm>>
    %dma_wait3A_24 = arith.constant 0 : i32
    %dma_wait3A_25 = tpu.memref_slice %arg4[%add3A_22, %dma_wait3A_24] : memref<81920x1024xf32, #tpu.memory_space<hbm>> -> memref<32x1024xf32, #tpu.memory_space<hbm>>
    tpu.wait_dma2 semaphore(%arg13 : memref<!tpu.dma_semaphore, #tpu.memory_space<semaphore_mem>>) src(%arg7 : memref<32x1024xf32, #tpu.memory_space<vmem>>) dst(%dma_wait3A_25 : memref<32x1024xf32, #tpu.memory_space<hbm>>)
    return
  }
}

module attributes {stable_mosaic.version = 14 : i64} {
  func.func @_table_kernel(%arg0: memref<1000x128xf32, #tpu.memory_space<vmem>>, %arg1: memref<1024x128xf32, #tpu.memory_space<vmem>>, %arg2: memref<1x1024xf32, #tpu.memory_space<vmem>>, %arg3: memref<1000x1024xf32, #tpu.memory_space<vmem>>) attributes {dimension_semantics = [], scalar_prefetch = 0 : i64, scratch_operands = 0 : i64, tpu.core_type = #tpu.core_type<tc>} {
    %get3A = arith.constant 0 : index
    %get3A_0 = arith.constant 0 : index
    %get3A_1 = vector.load %arg0[%get3A, %get3A_0] : memref<1000x128xf32, #tpu.memory_space<vmem>>, vector<1000x128xf32>
    %get3A_2 = arith.constant 0 : index
    %get3A_3 = arith.constant 0 : index
    %get3A_4 = vector.load %arg1[%get3A_2, %get3A_3] : memref<1024x128xf32, #tpu.memory_space<vmem>>, vector<1024x128xf32>
    %dot_general3A = arith.constant dense<0.000000e+00> : vector<1000x1024xf32>
    %dot_general3A_5 = tpu.matmul %get3A_1, %get3A_4, %dot_general3A {dimension_numbers = #tpu.dot_dimension_numbers<[1], [1], [0], [0], [0, 0, 1, 0], [], []>, precision = #tpu.contract_precision<fp32>, transpose_lhs_hint = false} : vector<1000x128xf32>, vector<1024x128xf32>, vector<1000x1024xf32> -> vector<1000x1024xf32>
    %get3A_6 = arith.constant 0 : index
    %get3A_7 = arith.constant 0 : index
    %get3A_8 = vector.load %arg2[%get3A_6, %get3A_7] : memref<1x1024xf32, #tpu.memory_space<vmem>>, vector<1x1024xf32>
    %add3A = vector.broadcast %get3A_8 : vector<1x1024xf32> to vector<1000x1024xf32>
    %add3A_9 = arith.addf %dot_general3A_5, %add3A : vector<1000x1024xf32>
    %swap3A = arith.constant 0 : index
    %swap3A_10 = arith.constant 0 : index
    %swap3A_11 = vector.load %arg3[%swap3A, %swap3A_10] : memref<1000x1024xf32, #tpu.memory_space<vmem>>, vector<1000x1024xf32>
    tpu.vector_store %arg3[%swap3A, %swap3A_10], %add3A_9 {strides = array<i32>} : memref<1000x1024xf32, #tpu.memory_space<vmem>>, vector<1000x1024xf32>,
    return
  }
}

</mosaic_0001>

<sc_bundles>
// kernel: kernel.4.cloned.1.call-start
scs
__scs_entry_jumppad:
0x0: {  	(pc) =	sbr.rel $0x88, $3  }
0x1: {  	(tag) =	ssettag $0x0;
	lr =	simm.s32 $0x1  }
0x2: {  	[smem:$0x3F9D] =	sst lr;
	_ =	strace $0xD0000000  }
0x3: {  	_ = 	snop  }
0x4: {  	_ = 	snop  }
0x5: {  	_ = 	snop  }
0x6: {  	_ = 	snop  }
0x7: {  	_ = 	snop  }
__scs_overlays_trampoline_lowered:
0x8: {  	[smem:$0x3FAC] =	sst s0  }
0x9: {  	[smem:$0x3FAD] =	sst s1  }
0xa: {  	[smem:$0x3FAE] =	sst s2  }
0xb: {  	[smem:$0x3FAF] =	sst s3  }
0xc: {  	[smem:$0x3FB0] =	sst s4  }
0xd: {  	[smem:$0x3FB1] =	sst s5  }
0xe: {  	[smem:$0x3FB2] =	sst s6  }
0xf: {  	[smem:$0x3FB3] =	sst s7  }
0x10: {  	[smem:$0x3FB4] =	sst s8  }
0x11: {  	[smem:$0x3FB5] =	sst s9;
	s0 =	simm.s32 @!p0 $0x0  }
0x12: {  	s1 =	sld [smem:$0x3F9B];
	s0 =	simm.s32 @p0 $0x1  }
0x13: {  	[smem:$0x3FB6] =	sst s0;
	s0 =	simm.s32 @!p1 $0x0  }
0x14: {  	s2 =	sld [smem:$0x3F9A];
	s0 =	simm.s32 @p1 $0x1  }
0x15: {  	[smem:$0x3FB7] =	sst s0;
	s0 =	simm.s32 @!p2 $0x0  }
0x16: {  	s3 =	sld [smem:$0x3FDB];
	s0 =	simm.s32 @p2 $0x1  }
0x17: {  	s4 =	simm.s32 $0x1BF5;
	[smem:$0x3FB9] =	sst s0  }
0x18: {  	s0 =	sld [smem:$0x3F9C];
	_ =	swait.ge [sflag:s4], $0x0  }
0x19: {  	s7 =	sld [smem:$0x3F9D]  }
0x1a: {  	s8 =	sadd.s32 $0xFFFFE003, lr  }
0x1b: {  	s9 =	sadd.s32 $0xFFFFFEF7, lr;
	s5 =	simm.s32 $0xFFFFFFFF;
	p2 =	slt.u32 s8, $0xFFFFF086  }
0x1c: {  	p1 =	slt.u32 s9, $0xF7A;
	s5 =	simm.s32 @!p2 $0x0  }
0x1d: {  	s5 =	simm.s32 @p1 $0x1;
	p0 =	seq.s32 s7, s2  }
0x1e: {  	s7 =	smul.u32 @!p0 $0xF7A, s2;
	p2 =	seq.s32 @!p0 s5, $0x0  }
0x1f: {  	s9 =	smul.u32 $0xF7A, s1;
	s8 =	simm.s32 @!p0 $0x1BF5;
	p2 =	por !p2, p0  }
0x20: {  	[sflag:s8] =	ssyncset.s32 @!p0 $0xFFFFF086;
	s6 =	sadd.s32 @!p0 s3, s7;
	s7 =	simm.s32 @!p0 $0x108  }
0x21: {  	s3 =	sadd.s32 s3, s9;
	s6 =	sadd.s32 @!p0 $0x88, s6;
	s7 =	simm.s32 @p2 $0x1082  }
0x22: {  	[simem:s7], [sflag:s8] =	dma.local @!p0 [hbm:s6], $0xF7A  }
0x23: {  	s9 =	sor.u32 $0xD0000000, s2;
	s6 =	simm.s32 $0x108;
	_ =	swait.ge @!p0 [sflag:s8], $0x0  }
0x24: {  	s3 =	sadd.s32 $0x88, s3;
	s6 =	simm.s32 @!p1 $0x1082;
	[sflag:s4] =	ssyncset.s32 $0xFFFFF086  }
0x25: {  	[simem:s6], [sflag:s4] =	dma.local [hbm:s3], $0xF7A  }
0x26: {  	[smem:$0x3F9D] =	sst s1;
	(tag) =	ssettag s2;
	_ =	strace s9  }
0x27: {  	s1 =	sld [smem:$0x3FAD]  }
0x28: {  	s2 =	sld [smem:$0x3FAE]  }
0x29: {  	s4 =	sld [smem:$0x3FB0]  }
0x2a: {  	p0 =	seq.s32 s5, $0x0;
	s5 =	sld [smem:$0x3FB1]  }
0x2b: {  	s6 =	sld [smem:$0x3FB2]  }
0x2c: {  	s7 =	sld [smem:$0x3FB3]  }
0x2d: {  	s3 =	simm.s32 $0x108;
	s8 =	sld [smem:$0x3FB4]  }
0x2e: {  	s3 =	simm.s32 @!p0 $0x1082;
	s9 =	sld [smem:$0x3FB5]  }
0x2f: {  	lr =	sadd.s32 s0, s3;
	s0 =	sld [smem:$0x3FAC]  }
0x30: {  	s3 =	sld [smem:$0x3FAF]  }
0x31: {  	[smem:$0x3FB8] =	sst s10  }
0x32: {  	s10 =	sld [smem:$0x3FB6];
	_ =	sdelay $0x3  }
0x33: {  	p0 =	seq.s32 s10, $0x1;
	s10 =	sld [smem:$0x3FB8];
	_ =	sdelay $0x3  }
0x34: {  	[smem:$0x3FB8] =	sst s10  }
0x35: {  	s10 =	sld [smem:$0x3FB7];
	_ =	sdelay $0x3  }
0x36: {  	p1 =	seq.s32 s10, $0x1;
	s10 =	sld [smem:$0x3FB8];
	_ =	sdelay $0x3  }
0x37: {  	[smem:$0x3FB8] =	sst s10  }
0x38: {  	s10 =	sld [smem:$0x3FB9]  }
0x39: {  	_ = 	snop;
	(pc) =	sbr.ind lr, $3  }
0x3a: {  	_ = 	snop  }
0x3b: {  	_ = 	snop  }
0x3c: {  	p2 =	seq.s32 s10, $0x1;
	s10 =	sld [smem:$0x3FB8]  }
0x3d: {  	_ =	shalt  }
0x3e: {  	_ =	shalt  }
0x3f: {  	_ =	shalt  }
0x40: {  	_ =	shalt  }
0x41: {  	_ =	shalt  }
0x42: {  	_ =	shalt  }
0x43: {  	_ =	shalt  }
0x44: {  	_ =	shalt  }
0x45: {  	_ =	shalt  }
0x46: {  	_ =	shalt  }
0x47: {  	_ =	shalt  }
0x48: {  	_ =	shalt  }
0x49: {  	_ =	shalt  }
0x4a: {  	_ =	shalt  }
0x4b: {  	_ =	shalt  }
0x4c: {  	_ =	shalt  }
0x4d: {  	_ =	shalt  }
0x4e: {  	_ =	shalt  }
0x4f: {  	_ =	shalt  }
0x50: {  	_ =	shalt  }
0x51: {  	_ =	shalt  }
0x52: {  	_ =	shalt  }
0x53: {  	_ =	shalt  }
0x54: {  	_ =	shalt  }
0x55: {  	_ =	shalt  }
0x56: {  	_ =	shalt  }
0x57: {  	_ =	shalt  }
0x58: {  	_ =	shalt  }
0x59: {  	_ =	shalt  }
0x5a: {  	_ =	shalt  }
0x5b: {  	_ =	shalt  }
0x5c: {  	_ =	shalt  }
0x5d: {  	_ =	shalt  }
0x5e: {  	_ =	shalt  }
0x5f: {  	_ =	shalt  }
0x60: {  	_ =	shalt  }
0x61: {  	_ =	shalt  }
0x62: {  	_ =	shalt  }
0x63: {  	_ =	shalt  }
0x64: {  	_ =	shalt  }
0x65: {  	_ =	shalt  }
0x66: {  	_ =	shalt  }
0x67: {  	_ =	shalt  }
0x68: {  	_ =	shalt  }
0x69: {  	_ =	shalt  }
0x6a: {  	_ =	shalt  }
0x6b: {  	_ =	shalt  }
0x6c: {  	_ =	shalt  }
0x6d: {  	_ =	shalt  }
0x6e: {  	_ =	shalt  }
0x6f: {  	_ =	shalt  }
0x70: {  	_ =	shalt  }
0x71: {  	_ =	shalt  }
0x72: {  	_ =	shalt  }
0x73: {  	_ =	shalt  }
0x74: {  	_ =	shalt  }
0x75: {  	_ =	shalt  }
0x76: {  	_ =	shalt  }
0x77: {  	_ =	shalt  }
0x78: {  	_ =	shalt  }
0x79: {  	_ =	shalt  }
0x7a: {  	_ =	shalt  }
0x7b: {  	_ =	shalt  }
0x7c: {  	_ =	shalt  }
0x7d: {  	_ =	shalt  }
0x7e: {  	_ =	shalt  }
0x7f: {  	_ =	shalt  }
0x80: {  	_ =	shalt  }
0x81: {  	_ =	shalt  }
0x82: {  	_ =	shalt  }
0x83: {  	_ =	shalt  }
0x84: {  	_ =	shalt  }
0x85: {  	_ =	shalt  }
0x86: {  	_ =	shalt  }
0x87: {  	_ =	shalt  }
.Lfunc_end0:
.L_simem_size_0:
called_computation.1_lowered:
.L_overlay_start_0:
0x88: {  	s2 =	sld [smem:$0x3FD9]  }
0x89: {  	s3 =	sld [smem:$0x3FFE];
	_ =	sdelay $0x1  }
0x8a: {  	s1 =	srdreg.scid  }
0x8b: {  	s0 =	sand.u32 $0x1, s1  }
0x8c: {  	s17 =	sshll.u32 s0, $0xA;
	s2 =	sadd.s32 s3, s2  }
0x8d: {  	s2 =	sadd.s32 s2, s17  }
0x8e: {  	[smem:$0x3FC4] =	sst s2  }
0x8f: {  	_ = 	snop  }
0x90: {  	s2 =	sld [smem:$0x3FD0];
	(tm) =	ssettm $0x1  }
0x91: {  	s18 =	sld [smem:$0x3FFB];
	_ =	sdelay $0x3  }
0x92: {  	_ =	strace s18  }
0x93: {  	s3 =	sld [smem:$0x3FFC];
	_ =	sdelay $0x3  }
0x94: {  	_ =	strace s3  }
0x95: {  	s3 =	sld [smem:$0x3FFD];
	_ =	sdelay $0x3  }
0x96: {  	_ =	strace s3  }
0x97: {  	_ =	strace $0x8FFFFFFF  }
0x98: {  	s19 =	sld [smem:$0x3FDB];
	_ =	sdelay $0x1  }
0x99: {  	s4 =	simm.s32 $_scs_section_size  }
0x9a: {  	s5 =	simm.s32 $_size__tile_overlayer_lowered;
	s6 =	simm.s32 $_tile_overlayer_lowered  }
0x9b: {  	s22 =	simm.s32 $0x1BFF;
	s21 =	sshll.u32 s6, $0x1;
	s3 =	sadd.s32 s4, s19  }
0x9c: {  	s7 =	simm.s32 $0x0;
	s20 =	sshll.u32 s5, $0x1;
	s5 =	sadd.s32 s21, s3  }
0x9d: {  	[timem:s7], [sflag:s22] =	dma.local [hbm:s5], s20  }
0x9e: {  	_ =	swait.ge [sflag:s22], s20  }
0x9f: {  	s4 =	ssub.s32 $0x0, s20;
	[sflag:s22] =	ssyncset.done $0x0  }
0xa0: {  	[sflag:s22] =	ssyncadd.s32 s4;
	_ =	sdelay $0x1  }
0xa1: {  	s23 =	simm.s32 $0x1B8B  }
0xa2: {  	_ =	swait.ge [sflag:s23], $0x1  }
0xa3: {  	[sflag:s23] =	ssyncset.done $0x0  }
0xa4: {  	s25 =	simm.s32 $0x1B8E;
	s24 =	sld [smem:$0x3FFE];
	[sflag:s23] =	ssyncadd.s32 $0xFFFFFFFF  }
0xa5: {  	s26 =	simm.s32 $execute0_lowered;
	[smem:$0x3FD2] =	sst s25  }
0xa6: {  	s5 =	sshll.u32 s26, $0x1;
	_ =	strace $0x80000046;
	[dreg:$0x1] =	wrdreg $0xFFFFFFFF  }
0xa7: {  	s28 =	simm.s32 $_size_execute0_lowered;
	s3 =	sadd.s32 s3, s5;
	[dreg:$0x0] =	wrdreg $0x0  }
0xa8: {  	s5 =	sshll.u32 s28, $0x1;
	[dreg:$0x2] =	wrdreg s3  }
0xa9: {  	[dreg:$0x3] =	wrdreg s5  }
0xaa: {  	[dreg:$0x4] =	wrdreg $0xC0  }
0xab: {  	_ =	task [dreg:s7], $0x5FFFF  }
0xac: {  	[dreg:$0x1] =	wrdreg $0xFFFFFFFF  }
0xad: {  	[dreg:$0x0] =	wrdreg $0x60  }
0xae: {  	[dreg:$0x2] =	wrdreg s24  }
0xaf: {  	[dreg:$0x3] =	wrdreg s2  }
0xb0: {  	[dreg:$0x4] =	wrdreg $0x9  }
0xb1: {  	_ =	task.clear_ibuf [dreg:s7], $0x5FFFF;
	_ =	strace $0x90000046  }
0xb2: {  	s29 =	simm.s32 $0x9;
	_ =	strace $0x80000048  }
0xb3: {  	_ =	swait.ge [sflag:s29], $0x1  }
0xb4: {  	[sflag:s29] =	ssyncadd.s32 $0xFFFFFFFF  }
0xb5: {  	_ =	strace $0x90000048  }
0xb6: {  	_ =	sfence  }
0xb7: {  	s30 =	sld [smem:$0x0];
	_ =	sdelay $0x2  }
0xb8: {  	s31 =	sshll.u32 s1, $0xD;
	s1 =	sshrl.u32 s1, $0x2  }
0xb9: {  	s3 =	sand.u32 $0x4000, s31;
	s1 =	sadd.s32 s1, s30  }
0xba: {  	s0 =	sor.u32 s3, s0;
	s1 =	sshll.u32 s1, $0x11  }
0xbb: {  	s0 =	sor.u32 s1, s0  }
0xbc: {  	s0 =	sadd.s32 $0x8F2B, s0  }
0xbd: {  	[sflag:s0] =	ssyncadd.remote.s32 $0x1  }
0xbe: {  	_ =	sfence.sel $0xFFFF  }
0xbf: {  	[dreg:$0x0] =	wrdreg $0xFFFFFFFF;
	(pc) =	sbr.abs _section_cstart, $3  }
0xc0: {  	[dreg:$0x1] =	wrdreg $0xFFFFFFFF  }
0xc1: {  	_ =	task.clear_ibuf [dreg:s7], $0x2FFFF;
	_ =	strace $0x9FFFFFFF  }
0xc2: {  	(tm) =	ssettm $0x7FFFFFFF  }
0xc3: {  	_ =	shalt  }
tec
execute0_lowered:
.L_overlay_start_1:
0x0: {  	(tag) =	ssettag $0x1  }
0x1: {  	s0 =	rddreg [dreg:$0x0]  }
0x2: {  	s2 =	rddreg [dreg:$0x1];
	s1 =	srdreg.scid  }
0x3: {  	s3 =	stileid.u32;
	s11 =	simm.s32 $0x2800;
	s28 =	simm.s32 $0xA800  }
0x4: {  	s22 =	simm.s32 $0x5;
	s23 =	simm.s32 $0x3;
	s24 =	simm.s32 $0x12800  }
0x5: {  	s25 =	simm.s32 $0x4;
	s26 =	simm.s32 $0x2;
	s12 =	simm.s32 $0x15800  }
0x6: {  	s13 =	simm.s32 $0x16000;
	s14 =	simm.s32 $0x16800;
	s15 =	simm.s32 $0x17000  }
0x7: {  	s16 =	simm.s32 $0x17800;
	s17 =	simm.s32 $0x18000;
	s18 =	simm.s32 $0x18800  }
0x8: {  	s19 =	simm.s32 $0x19000;
	s20 =	simm.s32 $0x19800;
	s21 =	simm.s32 $0x1A000  }
0x9: {  	s8 =	simm.s32 $0x0;
	s1 =	sand.u32 $0x1, s1;
	s4 =	sshll.u32 s3, $0x1  }
0xa: {  	s5 =	smul.u32 $0x500000, s3;
	s3 =	simm.s32 $0x0;
	s7 =	sadd.s32 $0x300, s2  }
0xb: {  	s4 =	sor.u32 s1, s4;
	s6 =	smul.u32 $0x280000, s1;
	s1 =	ssub.s32 $0x2, s1  }
0xc: {  	[smem:$0x7FF] =	sst s3;
	s4 =	smul.u32 $0x500, s4;
	s31 =	sshrl.u32 s1, $0x1  }
0xd: {  	_ =	strace $0x80000047;
	s5 =	sadd.s32 s6, s5;
	s1 =	ssub.s32 s1, s31  }
.Ltmp0:
0xe: {  	s6 =	sadd.s32 $0x200, s2;
	s5 =	sshrl.u32 s5, $0x3;
	(pc) =	sbr.rel .LBB2_1-.Ltmp0, $4  }
0xf: {  	s4 =	sadd.s32 s4, s0;
	s1 =	smax.u32 s1, $0x1;
	s0 =	sadd.s32 s5, s0  }
0x10: {  	v2 =	vlaneseq.u32;
	s4 =	sadd.s32 $0x800, s4;
	s5 =	sadd.s32 $0x100, s2;
	[dreg:$0x4] =	wrdreg s1  }
0x11: {  	vm0 =	vmmov $0xffff;
	v1 =	vshrl.u32 v2, $0x3;
	s1 =	simm.s32 $0x15000;
	[dreg:$0x3] =	wrdreg s4;
	s0 =	sadd.s32 $0xA800, s0  }
0x12: {  	v0 =	vand.u32 $0x7, v2;
	v2 =	vor.u32 $0x8, v2;
	v1 =	vmul.u32 $0x8, v1;
	s4 =	simm.s32 $0x1;
	[dreg:$0x5] =	wrdreg s0;
	s0 =	simm.s32 $0x14800  }
.LBB2_10:
0x13: {  	_ =	swait.ge [sflag:s22], $0x8000  }
0x14: {  	s8 =	sadd.s32 $0x1, s8;
	s9 =	rddreg [dreg:$0x4]  }
0x15: {  	p0 =	sne.s32 s8, s9  }
.Ltmp1:
0x16: {  	_ = 	snop;
	(pc) =	sbr.rel @!p0 .LBB2_11-.Ltmp1, $3  }
0x17: {  	_ =	sdelay $0x1  }
0x18: {  	[sflag:s22] =	ssyncset.done $0x0  }
0x19: {  	[sflag:s22] =	ssyncadd.s32 $0xFFFF8000  }
.LBB2_1:
0x1a: {  	s9 =	rddreg [dreg:$0x3];
	s31 =	simm.s32 $0x7  }
0x1b: {  	[tilespmem:s3], [sflag:$0x7] =	stream.linear.gather [hbm4b:s9+s3], $0x2800, $0x38;
	[tilespmem:$0x1A800] =	vst v63  }
0x1c: {  	_ =	swait.ge [sflag:s31], $0x2800  }
0x1d: {  	[sflag:s31] =	ssyncset.done $0x0  }
0x1e: {  	[sflag:s31] =	ssyncadd.s32 $0xFFFFD800  }
0x1f: {  	v3 =	vld [tilespmem:$0x0];
	_ =	sdelay $0x4  }
0x20: {  	v4 =	vshll.u32 v3, $0x3  }
0x21: {  	v3 =	vand.u32 $0x7, v3;
	v4 =	vand.u32 $0xFFFFFFC0, v4  }
0x22: {  	v3 =	vor.u32 v3, v4  }
0x23: {  	v4 =	vperm.xlane v3, v0;
	_ =	sdelay $0x1  }
0x24: {  	v4 =	vadd.s32 v1, v4;
	_ =	sdelay $0x4  }
0x25: {  	[tilespmem:s11], [sflag:$0x1] =	stream.indirect_vreg.gather [hbm4b:s2+s3], $0x80, v4, vm0, $0xb8;
	[tilespmem:$0x1A800] =	vst v63  }
0x26: {  	s10 =	simm.s32 $0x3000;
	v3 =	vperm.xlane v3, v2  }
0x27: {  	[tilespmem:s10], [sflag:$0x1] =	stream.indirect_vreg.gather [hbm4b:s5+s3], $0x80, v4, vm0, $0xb8;
	[tilespmem:$0x1A800] =	vst v63  }
0x28: {  	s30 =	simm.s32 $0x3800;
	v3 =	vadd.s32 v1, v3  }
0x29: {  	[tilespmem:s30], [sflag:$0x1] =	stream.indirect_vreg.gather [hbm4b:s6+s3], $0x80, v4, vm0, $0xb8;
	[tilespmem:$0x1A800] =	vst v63  }
0x2a: {  	s31 =	simm.s32 $0x4000  }
0x2b: {  	[tilespmem:s31], [sflag:$0x1] =	stream.indirect_vreg.gather [hbm4b:s7+s3], $0x80, v4, vm0, $0xb8;
	[tilespmem:$0x1A800] =	vst v63  }
0x2c: {  	s10 =	simm.s32 $0x4800  }
0x2d: {  	[tilespmem:s10], [sflag:$0x1] =	stream.indirect_vreg.gather [hbm4b:s2+s3], $0x80, v3, vm0, $0xb8;
	[tilespmem:$0x1A800] =	vst v63  }
0x2e: {  	s30 =	simm.s32 $0x5000  }
0x2f: {  	[tilespmem:s30], [sflag:$0x1] =	stream.indirect_vreg.gather [hbm4b:s5+s3], $0x80, v3, vm0, $0xb8;
	[tilespmem:$0x1A800] =	vst v63  }
0x30: {  	s31 =	simm.s32 $0x5800  }
0x31: {  	[tilespmem:s31], [sflag:$0x1] =	stream.indirect_vreg.gather [hbm4b:s6+s3], $0x80, v3, vm0, $0xb8;
	[tilespmem:$0x1A800] =	vst v63  }
0x32: {  	s10 =	simm.s32 $0x6000  }
0x33: {  	[tilespmem:s10], [sflag:$0x1] =	stream.indirect_vreg.gather [hbm4b:s7+s3], $0x80, v3, vm0, $0xb8;
	[tilespmem:$0x1A800] =	vst v63  }
0x34: {  	v3 =	vld [tilespmem:$0x10];
	_ =	sdelay $0x4  }
0x35: {  	v61 =	vshll.u32 v3, $0x3  }
0x36: {  	v3 =	vand.u32 $0x7, v3;
	v4 =	vand.u32 $0xFFFFFFC0, v61  }
0x37: {  	v3 =	vor.u32 v3, v4  }
0x38: {  	v4 =	vperm.xlane v3, v0;
	_ =	sdelay $0x1  }
0x39: {  	v4 =	vadd.s32 v1, v4;
	_ =	sdelay $0x3  }
0x3a: {  	s30 =	simm.s32 $0x6800  }
0x3b: {  	[tilespmem:s30], [sflag:$0x1] =	stream.indirect_vreg.gather [hbm4b:s2+s3], $0x80, v4, vm0, $0xb8;
	[tilespmem:$0x1A800] =	vst v63  }
0x3c: {  	s31 =	simm.s32 $0x7000;
	v3 =	vperm.xlane v3, v2  }
0x3d: {  	[tilespmem:s31], [sflag:$0x1] =	stream.indirect_vreg.gather [hbm4b:s5+s3], $0x80, v4, vm0, $0xb8;
	[tilespmem:$0x1A800] =	vst v63  }
0x3e: {  	s10 =	simm.s32 $0x7800;
	v3 =	vadd.s32 v1, v3  }
0x3f: {  	[tilespmem:s10], [sflag:$0x1] =	stream.indirect_vreg.gather [hbm4b:s6+s3], $0x80, v4, vm0, $0xb8;
	[tilespmem:$0x1A800] =	vst v63  }
0x40: {  	s30 =	simm.s32 $0x8000  }
0x41: {  	[tilespmem:s30], [sflag:$0x1] =	stream.indirect_vreg.gather [hbm4b:s7+s3], $0x80, v4, vm0, $0xb8;
	[tilespmem:$0x1A800] =	vst v63  }
0x42: {  	s31 =	simm.s32 $0x8800  }
0x43: {  	[tilespmem:s31], [sflag:$0x1] =	stream.indirect_vreg.gather [hbm4b:s2+s3], $0x80, v3, vm0, $0xb8;
	[tilespmem:$0x1A800] =	vst v63  }
0x44: {  	s10 =	simm.s32 $0x9000  }
0x45: {  	[tilespmem:s10], [sflag:$0x1] =	stream.indirect_vreg.gather [hbm4b:s5+s3], $0x80, v3, vm0, $0xb8;
	[tilespmem:$0x1A800] =	vst v63  }
0x46: {  	s30 =	simm.s32 $0x9800  }
0x47: {  	[tilespmem:s30], [sflag:$0x1] =	stream.indirect_vreg.gather [hbm4b:s6+s3], $0x80, v3, vm0, $0xb8;
	[tilespmem:$0x1A800] =	vst v63  }
0x48: {  	s31 =	simm.s32 $0xA000  }
0x49: {  	[tilespmem:s31], [sflag:$0x1] =	stream.indirect_vreg.gather [hbm4b:s7+s3], $0x80, v3, vm0, $0xb8;
	[tilespmem:$0x1A800] =	vst v63  }
0x4a: {  	v3 =	vld [tilespmem:$0x80];
	_ =	sdelay $0x4  }
0x4b: {  	v62 =	vshll.u32 v3, $0x3  }
0x4c: {  	v3 =	vand.u32 $0x7, v3;
	v4 =	vand.u32 $0xFFFFFFC0, v62  }
0x4d: {  	v3 =	vor.u32 v3, v4  }
0x4e: {  	v4 =	vperm.xlane v3, v0;
	_ =	sdelay $0x1  }
0x4f: {  	v4 =	vadd.s32 v1, v4;
	_ =	sdelay $0x4  }
0x50: {  	[tilespmem:s28], [sflag:$0x2] =	stream.indirect_vreg.gather [hbm4b:s2+s3], $0x80, v4, vm0, $0xb8;
	[tilespmem:$0x1A800] =	vst v63  }
0x51: {  	s10 =	simm.s32 $0xB000;
	v3 =	vperm.xlane v3, v2  }
0x52: {  	[tilespmem:s10], [sflag:$0x2] =	stream.indirect_vreg.gather [hbm4b:s5+s3], $0x80, v4, vm0, $0xb8;
	[tilespmem:$0x1A800] =	vst v63  }
0x53: {  	s30 =	simm.s32 $0xB800;
	v3 =	vadd.s32 v1, v3  }
0x54: {  	[tilespmem:s30], [sflag:$0x2] =	stream.indirect_vreg.gather [hbm4b:s6+s3], $0x80, v4, vm0, $0xb8;
	[tilespmem:$0x1A800] =	vst v63  }
0x55: {  	s31 =	simm.s32 $0xC000  }
0x56: {  	[tilespmem:s31], [sflag:$0x2] =	stream.indirect_vreg.gather [hbm4b:s7+s3], $0x80, v4, vm0, $0xb8;
	[tilespmem:$0x1A800] =	vst v63  }
0x57: {  	s10 =	simm.s32 $0xC800  }
0x58: {  	[tilespmem:s10], [sflag:$0x2] =	stream.indirect_vreg.gather [hbm4b:s2+s3], $0x80, v3, vm0, $0xb8;
	[tilespmem:$0x1A800] =	vst v63  }
0x59: {  	s30 =	simm.s32 $0xD000  }
0x5a: {  	[tilespmem:s30], [sflag:$0x2] =	stream.indirect_vreg.gather [hbm4b:s5+s3], $0x80, v3, vm0, $0xb8;
	[tilespmem:$0x1A800] =	vst v63  }
0x5b: {  	s31 =	simm.s32 $0xD800  }
0x5c: {  	[tilespmem:s31], [sflag:$0x2] =	stream.indirect_vreg.gather [hbm4b:s6+s3], $0x80, v3, vm0, $0xb8;
	[tilespmem:$0x1A800] =	vst v63  }
0x5d: {  	s10 =	simm.s32 $0xE000  }
0x5e: {  	[tilespmem:s10], [sflag:$0x2] =	stream.indirect_vreg.gather [hbm4b:s7+s3], $0x80, v3, vm0, $0xb8;
	[tilespmem:$0x1A800] =	vst v63  }
0x5f: {  	v3 =	vld [tilespmem:$0x90];
	_ =	sdelay $0x4  }
0x60: {  	v63 =	vshll.u32 v3, $0x3  }
0x61: {  	v3 =	vand.u32 $0x7, v3;
	v4 =	vand.u32 $0xFFFFFFC0, v63  }
0x62: {  	v3 =	vor.u32 v3, v4  }
0x63: {  	v4 =	vperm.xlane v3, v0;
	_ =	sdelay $0x1  }
0x64: {  	v4 =	vadd.s32 v1, v4;
	_ =	sdelay $0x3  }
0x65: {  	s30 =	simm.s32 $0xE800  }
0x66: {  	[tilespmem:s30], [sflag:$0x2] =	stream.indirect_vreg.gather [hbm4b:s2+s3], $0x80, v4, vm0, $0xb8;
	[tilespmem:$0x1A800] =	vst v63  }
0x67: {  	s31 =	simm.s32 $0xF000;
	v3 =	vperm.xlane v3, v2  }
0x68: {  	[tilespmem:s31], [sflag:$0x2] =	stream.indirect_vreg.gather [hbm4b:s5+s3], $0x80, v4, vm0, $0xb8;
	[tilespmem:$0x1A800] =	vst v63  }
0x69: {  	s10 =	simm.s32 $0xF800;
	v3 =	vadd.s32 v1, v3  }
0x6a: {  	[tilespmem:s10], [sflag:$0x2] =	stream.indirect_vreg.gather [hbm4b:s6+s3], $0x80, v4, vm0, $0xb8;
	[tilespmem:$0x1A800] =	vst v63  }
0x6b: {  	s30 =	simm.s32 $0x10000  }
0x6c: {  	[tilespmem:s30], [sflag:$0x2] =	stream.indirect_vreg.gather [hbm4b:s7+s3], $0x80, v4, vm0, $0xb8;
	[tilespmem:$0x1A800] =	vst v63  }
0x6d: {  	s31 =	simm.s32 $0x10800  }
0x6e: {  	[tilespmem:s31], [sflag:$0x2] =	stream.indirect_vreg.gather [hbm4b:s2+s3], $0x80, v3, vm0, $0xb8;
	[tilespmem:$0x1A800] =	vst v63  }
0x6f: {  	s10 =	simm.s32 $0x11000  }
0x70: {  	[tilespmem:s10], [sflag:$0x2] =	stream.indirect_vreg.gather [hbm4b:s5+s3], $0x80, v3, vm0, $0xb8;
	[tilespmem:$0x1A800] =	vst v63  }
.Ltmp2:
0x71: {  	_ = 	snop;
	(pc) =	sbr.rel .LBB2_2-.Ltmp2, $4  }
0x72: {  	s29 =	simm.s32 $0x0;
	s30 =	simm.s32 $0x11800  }
0x73: {  	[tilespmem:s30], [sflag:$0x2] =	stream.indirect_vreg.gather [hbm4b:s6+s3], $0x80, v3, vm0, $0xb8;
	[tilespmem:$0x1A800] =	vst v63  }
0x74: {  	s9 =	simm.s32 $0x110;
	s31 =	simm.s32 $0x12000;
	s10 =	rddreg [dreg:$0x5]  }
0x75: {  	[tilespmem:s31], [sflag:$0x2] =	stream.indirect_vreg.gather [hbm4b:s7+s3], $0x80, v3, vm0, $0xb8;
	[tilespmem:$0x1A800] =	vst v63  }
.LBB2_8:
0x76: {  	_ =	swait.ge [sflag:s22], $0x8000  }
0x77: {  	[sflag:s22] =	ssyncset.done $0x0  }
0x78: {  	p0 =	sgt.u32 s29, $0x4D;
	[sflag:s22] =	ssyncadd.s32 $0xFFFF8000  }
0x79: {  	v3 =	vld @!p0 [tilespmem:s9+$0xFFFFFFF0];
	_ =	sdelay $0x4  }
0x7a: {  	v4 =	vshll.u32 @!p0 v3, $0x3  }
0x7b: {  	v5 =	vlaneseq.u32 @!p0;
	v3 =	vand.u32 @!p0 $0x7, v3;
	v4 =	vand.u32 @!p0 $0xFFFFFFC0, v4  }
0x7c: {  	v6 =	vshrl.u32 @!p0 v5, $0x3;
	v3 =	vor.u32 @!p0 v3, v4;
	v4 =	vand.u32 @!p0 $0x7, v5  }
0x7d: {  	v6 =	vmul.u32 @!p0 $0x8, v6;
	v7 =	vperm.xlane @!p0 v3, v4;
	_ =	sdelay $0x1  }
0x7e: {  	v7 =	vadd.s32 @!p0 v6, v7;
	_ =	sdelay $0x3  }
0x7f: {  	vm1 =	vmmov @!p0 $0xffff;
	s30 =	simm.s32 @!p0 $0x0;
	s31 =	simm.s32 @!p0 $0xA800  }
0x80: {  	v5 =	vor.u32 @!p0 $0x8, v5;
	[tilespmem:s31], [sflag:$0x2] =	stream.indirect_vreg.gather @!p0 [hbm4b:s2+s30], $0x80, v7, vm1, $0xb8;
	[tilespmem:$0x1A800] =	vst v63  }
0x81: {  	v3 =	vperm.xlane @!p0 v3, v5;
	s31 =	simm.s32 @!p0 $0xB000  }
0x82: {  	[tilespmem:s31], [sflag:$0x2] =	stream.indirect_vreg.gather @!p0 [hbm4b:s5+s30], $0x80, v7, vm1, $0xb8;
	[tilespmem:$0x1A800] =	vst v63  }
0x83: {  	v3 =	vadd.s32 @!p0 v6, v3;
	s31 =	simm.s32 @!p0 $0xB800  }
0x84: {  	[tilespmem:s31], [sflag:$0x2] =	stream.indirect_vreg.gather @!p0 [hbm4b:s6+s30], $0x80, v7, vm1, $0xb8;
	[tilespmem:$0x1A800] =	vst v63  }
0x85: {  	s31 =	simm.s32 @!p0 $0xC000  }
0x86: {  	[tilespmem:s31], [sflag:$0x2] =	stream.indirect_vreg.gather @!p0 [hbm4b:s7+s30], $0x80, v7, vm1, $0xb8;
	[tilespmem:$0x1A800] =	vst v63  }
0x87: {  	s31 =	simm.s32 @!p0 $0xC800  }
0x88: {  	[tilespmem:s31], [sflag:$0x2] =	stream.indirect_vreg.gather @!p0 [hbm4b:s2+s30], $0x80, v3, vm1, $0xb8;
	[tilespmem:$0x1A800] =	vst v63  }
0x89: {  	s31 =	simm.s32 @!p0 $0xD000  }
0x8a: {  	[tilespmem:s31], [sflag:$0x2] =	stream.indirect_vreg.gather @!p0 [hbm4b:s5+s30], $0x80, v3, vm1, $0xb8;
	[tilespmem:$0x1A800] =	vst v63  }
0x8b: {  	s31 =	simm.s32 @!p0 $0xD800  }
0x8c: {  	[tilespmem:s31], [sflag:$0x2] =	stream.indirect_vreg.gather @!p0 [hbm4b:s6+s30], $0x80, v3, vm1, $0xb8;
	[tilespmem:$0x1A800] =	vst v63  }
0x8d: {  	s31 =	simm.s32 @!p0 $0xE000  }
0x8e: {  	[tilespmem:s31], [sflag:$0x2] =	stream.indirect_vreg.gather @!p0 [hbm4b:s7+s30], $0x80, v3, vm1, $0xb8;
	[tilespmem:$0x1A800] =	vst v63  }
0x8f: {  	v3 =	vld @!p0 [tilespmem:s9+$0x0];
	_ =	sdelay $0x4  }
0x90: {  	v7 =	vshll.u32 @!p0 v3, $0x3  }
0x91: {  	v3 =	vand.u32 @!p0 $0x7, v3;
	v7 =	vand.u32 @!p0 $0xFFFFFFC0, v7  }
0x92: {  	v3 =	vor.u32 @!p0 v3, v7  }
0x93: {  	v4 =	vperm.xlane @!p0 v3, v4;
	_ =	sdelay $0x1  }
0x94: {  	v4 =	vadd.s32 @!p0 v6, v4;
	_ =	sdelay $0x3  }
0x95: {  	s31 =	simm.s32 @!p0 $0xE800  }
0x96: {  	[tilespmem:s31], [sflag:$0x2] =	stream.indirect_vreg.gather @!p0 [hbm4b:s2+s30], $0x80, v4, vm1, $0xb8;
	[tilespmem:$0x1A800] =	vst v63  }
0x97: {  	v3 =	vperm.xlane @!p0 v3, v5;
	s31 =	simm.s32 @!p0 $0xF000  }
0x98: {  	[tilespmem:s31], [sflag:$0x2] =	stream.indirect_vreg.gather @!p0 [hbm4b:s5+s30], $0x80, v4, vm1, $0xb8;
	[tilespmem:$0x1A800] =	vst v63  }
0x99: {  	v3 =	vadd.s32 @!p0 v6, v3;
	s31 =	simm.s32 @!p0 $0xF800  }
0x9a: {  	[tilespmem:s31], [sflag:$0x2] =	stream.indirect_vreg.gather @!p0 [hbm4b:s6+s30], $0x80, v4, vm1, $0xb8;
	[tilespmem:$0x1A800] =	vst v63  }
0x9b: {  	s31 =	simm.s32 @!p0 $0x10000  }
0x9c: {  	[tilespmem:s31], [sflag:$0x2] =	stream.indirect_vreg.gather @!p0 [hbm4b:s7+s30], $0x80, v4, vm1, $0xb8;
	[tilespmem:$0x1A800] =	vst v63  }
0x9d: {  	s31 =	simm.s32 @!p0 $0x10800  }
0x9e: {  	[tilespmem:s31], [sflag:$0x2] =	stream.indirect_vreg.gather @!p0 [hbm4b:s2+s30], $0x80, v3, vm1, $0xb8;
	[tilespmem:$0x1A800] =	vst v63  }
0x9f: {  	s31 =	simm.s32 @!p0 $0x11000  }
0xa0: {  	[tilespmem:s31], [sflag:$0x2] =	stream.indirect_vreg.gather @!p0 [hbm4b:s5+s30], $0x80, v3, vm1, $0xb8;
	[tilespmem:$0x1A800] =	vst v63  }
0xa1: {  	s31 =	simm.s32 @!p0 $0x11800  }
0xa2: {  	[tilespmem:s31], [sflag:$0x2] =	stream.indirect_vreg.gather @!p0 [hbm4b:s6+s30], $0x80, v3, vm1, $0xb8;
	[tilespmem:$0x1A800] =	vst v63  }
0xa3: {  	s31 =	simm.s32 @!p0 $0x12000  }
0xa4: {  	[tilespmem:s31], [sflag:$0x2] =	stream.indirect_vreg.gather @!p0 [hbm4b:s7+s30], $0x80, v3, vm1, $0xb8;
	[tilespmem:$0x1A800] =	vst v63  }
0xa5: {  	_ =	swait.ge [sflag:s23], $0x8000  }
0xa6: {  	[sflag:s23] =	ssyncset.done $0x0  }
0xa7: {  	[sflag:s23] =	ssyncadd.s32 $0xFFFF8000  }
0xa8: {  	[hbm4b:s10+s3] =	stream.linear.scatter [tilespmem:s24], [sflag:$0x6], $0x8000, $0x38;
	[tilespmem:$0x1A800] =	vst v63  }
.LBB2_9:
0xa9: {  	s29 =	sadd.s32 $0x1, s29  }
0xaa: {  	p0 =	sne.s32 s29, $0x50  }
.Ltmp3:
0xab: {  	_ = 	snop;
	(pc) =	sbr.rel @!p0 .LBB2_10-.Ltmp3, $2  }
0xac: {  	_ =	sdelay $0x2  }
0xad: {  	s9 =	sadd.s32 $0x80, s9;
	s10 =	sadd.s32 $0x1000, s10  }
.LBB2_2:
0xae: {  	s30 =	smul.u32 $0xAB, s29;
	_ =	sdelay $0x1  }
0xaf: {  	s30 =	sshrl.u32 s30, $0x9  }
0xb0: {  	s30 =	sand.u32 $0x7F, s30  }
0xb1: {  	s30 =	smul.u32 $0x3, s30;
	_ =	sdelay $0x1  }
0xb2: {  	s30 =	ssub.s32 s29, s30  }
0xb3: {  	s30 =	sand.u32 $0xFF, s30  }
0xb4: {  	p0 =	seq.s32 s30, $0x2  }
.Ltmp4:
0xb5: {  	_ = 	snop;
	(pc) =	sbr.rel @p0 .LBB2_8-.Ltmp4, $1  }
0xb6: {  	_ =	sdelay $0x3  }
0xb7: {  	p0 =	seq.s32 s30, $0x1  }
.Ltmp5:
0xb8: {  	_ = 	snop;
	(pc) =	sbr.rel @!p0 .LBB2_4-.Ltmp5, $1  }
0xb9: {  	_ =	sdelay $0x3  }
0xba: {  	_ =	swait.ge [sflag:s25], $0x8000  }
0xbb: {  	[sflag:s25] =	ssyncset.done $0x0  }
0xbc: {  	p0 =	sgt.u32 s29, $0x4D;
	[sflag:s25] =	ssyncadd.s32 $0xFFFF8000  }
0xbd: {  	v3 =	vld @!p0 [tilespmem:s9+$0xFFFFFFF0];
	_ =	sdelay $0x4  }
0xbe: {  	v4 =	vshll.u32 @!p0 v3, $0x3  }
0xbf: {  	v5 =	vlaneseq.u32 @!p0;
	v3 =	vand.u32 @!p0 $0x7, v3;
	v4 =	vand.u32 @!p0 $0xFFFFFFC0, v4  }
0xc0: {  	v6 =	vshrl.u32 @!p0 v5, $0x3;
	v3 =	vor.u32 @!p0 v3, v4;
	v4 =	vand.u32 @!p0 $0x7, v5  }
0xc1: {  	v6 =	vmul.u32 @!p0 $0x8, v6;
	v7 =	vperm.xlane @!p0 v3, v4;
	_ =	sdelay $0x1  }
0xc2: {  	v7 =	vadd.s32 @!p0 v6, v7;
	_ =	sdelay $0x3  }
0xc3: {  	vm1 =	vmmov @!p0 $0xffff;
	s30 =	simm.s32 @!p0 $0x0;
	s31 =	simm.s32 @!p0 $0x2800  }
0xc4: {  	v5 =	vor.u32 @!p0 $0x8, v5;
	[tilespmem:s31], [sflag:$0x1] =	stream.indirect_vreg.gather @!p0 [hbm4b:s2+s30], $0x80, v7, vm1, $0xb8;
	[tilespmem:$0x1A800] =	vst v63  }
0xc5: {  	v3 =	vperm.xlane @!p0 v3, v5;
	s31 =	simm.s32 @!p0 $0x3000  }
0xc6: {  	[tilespmem:s31], [sflag:$0x1] =	stream.indirect_vreg.gather @!p0 [hbm4b:s5+s30], $0x80, v7, vm1, $0xb8;
	[tilespmem:$0x1A800] =	vst v63  }
0xc7: {  	v3 =	vadd.s32 @!p0 v6, v3;
	s31 =	simm.s32 @!p0 $0x3800  }
0xc8: {  	[tilespmem:s31], [sflag:$0x1] =	stream.indirect_vreg.gather @!p0 [hbm4b:s6+s30], $0x80, v7, vm1, $0xb8;
	[tilespmem:$0x1A800] =	vst v63  }
0xc9: {  	s31 =	simm.s32 @!p0 $0x4000  }
0xca: {  	[tilespmem:s31], [sflag:$0x1] =	stream.indirect_vreg.gather @!p0 [hbm4b:s7+s30], $0x80, v7, vm1, $0xb8;
	[tilespmem:$0x1A800] =	vst v63  }
0xcb: {  	s31 =	simm.s32 @!p0 $0x4800  }
0xcc: {  	[tilespmem:s31], [sflag:$0x1] =	stream.indirect_vreg.gather @!p0 [hbm4b:s2+s30], $0x80, v3, vm1, $0xb8;
	[tilespmem:$0x1A800] =	vst v63  }
0xcd: {  	s31 =	simm.s32 @!p0 $0x5000  }
0xce: {  	[tilespmem:s31], [sflag:$0x1] =	stream.indirect_vreg.gather @!p0 [hbm4b:s5+s30], $0x80, v3, vm1, $0xb8;
	[tilespmem:$0x1A800] =	vst v63  }
0xcf: {  	s31 =	simm.s32 @!p0 $0x5800  }
0xd0: {  	[tilespmem:s31], [sflag:$0x1] =	stream.indirect_vreg.gather @!p0 [hbm4b:s6+s30], $0x80, v3, vm1, $0xb8;
	[tilespmem:$0x1A800] =	vst v63  }
0xd1: {  	s31 =	simm.s32 @!p0 $0x6000  }
0xd2: {  	[tilespmem:s31], [sflag:$0x1] =	stream.indirect_vreg.gather @!p0 [hbm4b:s7+s30], $0x80, v3, vm1, $0xb8;
	[tilespmem:$0x1A800] =	vst v63  }
0xd3: {  	v3 =	vld @!p0 [tilespmem:s9+$0x0];
	_ =	sdelay $0x4  }
0xd4: {  	v7 =	vshll.u32 @!p0 v3, $0x3  }
0xd5: {  	v3 =	vand.u32 @!p0 $0x7, v3;
	v7 =	vand.u32 @!p0 $0xFFFFFFC0, v7  }
0xd6: {  	v3 =	vor.u32 @!p0 v3, v7  }
0xd7: {  	v4 =	vperm.xlane @!p0 v3, v4;
	_ =	sdelay $0x1  }
0xd8: {  	v4 =	vadd.s32 @!p0 v6, v4;
	_ =	sdelay $0x3  }
0xd9: {  	s31 =	simm.s32 @!p0 $0x6800  }
0xda: {  	[tilespmem:s31], [sflag:$0x1] =	stream.indirect_vreg.gather @!p0 [hbm4b:s2+s30], $0x80, v4, vm1, $0xb8;
	[tilespmem:$0x1A800] =	vst v63  }
0xdb: {  	v3 =	vperm.xlane @!p0 v3, v5;
	s31 =	simm.s32 @!p0 $0x7000  }
0xdc: {  	[tilespmem:s31], [sflag:$0x1] =	stream.indirect_vreg.gather @!p0 [hbm4b:s5+s30], $0x80, v4, vm1, $0xb8;
	[tilespmem:$0x1A800] =	vst v63  }
0xdd: {  	v3 =	vadd.s32 @!p0 v6, v3;
	s31 =	simm.s32 @!p0 $0x7800  }
0xde: {  	[tilespmem:s31], [sflag:$0x1] =	stream.indirect_vreg.gather @!p0 [hbm4b:s6+s30], $0x80, v4, vm1, $0xb8;
	[tilespmem:$0x1A800] =	vst v63  }
0xdf: {  	s31 =	simm.s32 @!p0 $0x8000  }
0xe0: {  	[tilespmem:s31], [sflag:$0x1] =	stream.indirect_vreg.gather @!p0 [hbm4b:s7+s30], $0x80, v4, vm1, $0xb8;
	[tilespmem:$0x1A800] =	vst v63  }
0xe1: {  	s31 =	simm.s32 @!p0 $0x8800  }
0xe2: {  	[tilespmem:s31], [sflag:$0x1] =	stream.indirect_vreg.gather @!p0 [hbm4b:s2+s30], $0x80, v3, vm1, $0xb8;
	[tilespmem:$0x1A800] =	vst v63  }
0xe3: {  	s31 =	simm.s32 @!p0 $0x9000  }
0xe4: {  	[tilespmem:s31], [sflag:$0x1] =	stream.indirect_vreg.gather @!p0 [hbm4b:s5+s30], $0x80, v3, vm1, $0xb8;
	[tilespmem:$0x1A800] =	vst v63  }
0xe5: {  	s31 =	simm.s32 @!p0 $0x9800  }
0xe6: {  	[tilespmem:s31], [sflag:$0x1] =	stream.indirect_vreg.gather @!p0 [hbm4b:s6+s30], $0x80, v3, vm1, $0xb8;
	[tilespmem:$0x1A800] =	vst v63  }
0xe7: {  	s31 =	simm.s32 @!p0 $0xA000  }
0xe8: {  	[tilespmem:s31], [sflag:$0x1] =	stream.indirect_vreg.gather @!p0 [hbm4b:s7+s30], $0x80, v3, vm1, $0xb8;
	[tilespmem:$0x1A800] =	vst v63  }
.Ltmp6:
0xe9: {  	_ = 	snop;
	(pc) =	sbr.rel .LBB2_9-.Ltmp6, $4  }
0xea: {  	_ =	swait.ge [sflag:s26], $0x8000  }
0xeb: {  	[sflag:s26] =	ssyncset.done $0x0  }
0xec: {  	[sflag:s26] =	ssyncadd.s32 $0xFFFF8000  }
0xed: {  	[hbm4b:s10+s3] =	stream.linear.scatter [tilespmem:s28], [sflag:$0x5], $0x8000, $0x38;
	[tilespmem:$0x1A800] =	vst v63  }
.LBB2_4:
0xee: {  	p0 =	seq.s32 s29, $0x0  }
0xef: {  	p1 =	sgt.u32 @!p0 s29, $0x4D  }
0xf0: {  	p1 =	por p0, !p1  }
.Ltmp7:
0xf1: {  	_ = 	snop;
	(pc) =	sbr.rel @!p1 .LBB2_6-.Ltmp7, $4  }
0xf2: {  	s30 =	simm.s32 @!p0 $0x6  }
0xf3: {  	_ =	swait.ge @!p0 [sflag:s30], $0x8000  }
0xf4: {  	[sflag:s30] =	ssyncset.done @!p0 $0x0  }
0xf5: {  	[sflag:s30] =	ssyncadd.s32 @!p0 $0xFFFF8000  }
0xf6: {  	v3 =	vld [tilespmem:s9+$0xFFFFFFF0];
	_ =	sdelay $0x4  }
0xf7: {  	v4 =	vshll.u32 v3, $0x3  }
0xf8: {  	v3 =	vand.u32 $0x7, v3;
	v4 =	vand.u32 $0xFFFFFFC0, v4  }
0xf9: {  	v3 =	vor.u32 v3, v4  }
0xfa: {  	v4 =	vperm.xlane v3, v0;
	_ =	sdelay $0x1  }
0xfb: {  	v4 =	vadd.s32 v1, v4;
	_ =	sdelay $0x4  }
0xfc: {  	[tilespmem:s24], [sflag:$0x3] =	stream.indirect_vreg.gather [hbm4b:s2+s3], $0x80, v4, vm0, $0xb8;
	[tilespmem:$0x1A800] =	vst v63  }
0xfd: {  	s30 =	simm.s32 $0x13000;
	v3 =	vperm.xlane v3, v2  }
0xfe: {  	[tilespmem:s30], [sflag:$0x3] =	stream.indirect_vreg.gather [hbm4b:s5+s3], $0x80, v4, vm0, $0xb8;
	[tilespmem:$0x1A800] =	vst v63  }
0xff: {  	s31 =	simm.s32 $0x13800;
	v3 =	vadd.s32 v1, v3  }
0x100: {  	[tilespmem:s31], [sflag:$0x3] =	stream.indirect_vreg.gather [hbm4b:s6+s3], $0x80, v4, vm0, $0xb8;
	[tilespmem:$0x1A800] =	vst v63  }
0x101: {  	s31 =	simm.s32 $0x14000  }
0x102: {  	[tilespmem:s31], [sflag:$0x3] =	stream.indirect_vreg.gather [hbm4b:s7+s3], $0x80, v4, vm0, $0xb8;
	[tilespmem:$0x1A800] =	vst v63  }
0x103: {  	_ = 	snop  }
0x104: {  	[tilespmem:s0], [sflag:$0x3] =	stream.indirect_vreg.gather [hbm4b:s2+s3], $0x80, v3, vm0, $0xb8;
	[tilespmem:$0x1A800] =	vst v63  }
0x105: {  	_ = 	snop  }
0x106: {  	[tilespmem:s1], [sflag:$0x3] =	stream.indirect_vreg.gather [hbm4b:s5+s3], $0x80, v3, vm0, $0xb8;
	[tilespmem:$0x1A800] =	vst v63  }
0x107: {  	_ = 	snop  }
0x108: {  	[tilespmem:s12], [sflag:$0x3] =	stream.indirect_vreg.gather [hbm4b:s6+s3], $0x80, v3, vm0, $0xb8;
	[tilespmem:$0x1A800] =	vst v63  }
0x109: {  	_ = 	snop  }
0x10a: {  	[tilespmem:s13], [sflag:$0x3] =	stream.indirect_vreg.gather [hbm4b:s7+s3], $0x80, v3, vm0, $0xb8;
	[tilespmem:$0x1A800] =	vst v63  }
0x10b: {  	v3 =	vld [tilespmem:s9+$0x0];
	_ =	sdelay $0x4  }
0x10c: {  	v63 =	vshll.u32 v3, $0x3  }
0x10d: {  	v3 =	vand.u32 $0x7, v3;
	v4 =	vand.u32 $0xFFFFFFC0, v63  }
0x10e: {  	v3 =	vor.u32 v3, v4  }
0x10f: {  	v4 =	vperm.xlane v3, v0;
	_ =	sdelay $0x1  }
0x110: {  	v4 =	vadd.s32 v1, v4;
	_ =	sdelay $0x4  }
0x111: {  	[tilespmem:s14], [sflag:$0x3] =	stream.indirect_vreg.gather [hbm4b:s2+s3], $0x80, v4, vm0, $0xb8;
	[tilespmem:$0x1A800] =	vst v63  }
0x112: {  	v3 =	vperm.xlane v3, v2  }
0x113: {  	[tilespmem:s15], [sflag:$0x3] =	stream.indirect_vreg.gather [hbm4b:s5+s3], $0x80, v4, vm0, $0xb8;
	[tilespmem:$0x1A800] =	vst v63  }
0x114: {  	v3 =	vadd.s32 v1, v3  }
0x115: {  	[tilespmem:s16], [sflag:$0x3] =	stream.indirect_vreg.gather [hbm4b:s6+s3], $0x80, v4, vm0, $0xb8;
	[tilespmem:$0x1A800] =	vst v63  }
0x116: {  	_ = 	snop  }
0x117: {  	[tilespmem:s17], [sflag:$0x3] =	stream.indirect_vreg.gather [hbm4b:s7+s3], $0x80, v4, vm0, $0xb8;
	[tilespmem:$0x1A800] =	vst v63  }
0x118: {  	_ = 	snop  }
0x119: {  	[tilespmem:s18], [sflag:$0x3] =	stream.indirect_vreg.gather [hbm4b:s2+s3], $0x80, v3, vm0, $0xb8;
	[tilespmem:$0x1A800] =	vst v63  }
0x11a: {  	_ = 	snop  }
0x11b: {  	[tilespmem:s19], [sflag:$0x3] =	stream.indirect_vreg.gather [hbm4b:s5+s3], $0x80, v3, vm0, $0xb8;
	[tilespmem:$0x1A800] =	vst v63  }
0x11c: {  	_ = 	snop  }
0x11d: {  	[tilespmem:s20], [sflag:$0x3] =	stream.indirect_vreg.gather [hbm4b:s6+s3], $0x80, v3, vm0, $0xb8;
	[tilespmem:$0x1A800] =	vst v63  }
0x11e: {  	_ = 	snop  }
0x11f: {  	[tilespmem:s21], [sflag:$0x3] =	stream.indirect_vreg.gather [hbm4b:s7+s3], $0x80, v3, vm0, $0xb8;
	[tilespmem:$0x1A800] =	vst v63  }
.LBB2_6:
.Ltmp8:
0x120: {  	(pc) =	sbr.rel .LBB2_9-.Ltmp8, $4  }
0x121: {  	_ =	swait.ge [sflag:s4], $0x8000  }
0x122: {  	[sflag:s4] =	ssyncset.done $0x0  }
0x123: {  	[sflag:s4] =	ssyncadd.s32 $0xFFFF8000  }
0x124: {  	[hbm4b:s10+s3] =	stream.linear.scatter [tilespmem:s11], [sflag:$0x4], $0x8000, $0x38;
	[tilespmem:$0x1A800] =	vst v63  }
.LBB2_11:
0x125: {  	_ =	sfence.sel $0x180000  }
0x126: {  	[bflag:$0x0] =	sbarrier.arrive $0xFFFF  }
0x127: {  	_ =	strace $0x90000047  }
0x128: {  	s0 =	stileid.u32;
	[bflag:$0x2] =	sbarrier.arrive $0xFFFF  }
0x129: {  	p0 =	sne.s32 s0, $0x0;
	s0 =	rddreg [dreg:$0x2]  }
0x12a: {  	s0 =	sadd.s32 @!p0 $0x100000, s0  }
0x12b: {  	[sflag:s0] =	ssyncadd.tile.s32 @!p0 $0x1;
	_ =	shalt  }
.Lfunc_end2:
_tile_overlayer_lowered:
.L_overlay_start_2:
0x12c: {  	(tag) =	ssettag $0x2  }
0x12d: {  	s0 =	rddreg [dreg:$0x0];
	s2 =	stileid.u32  }
0x12e: {  	s1 =	rddreg [dreg:$0x1];
	p0 =	sne.s32 s2, $0x0  }
0x12f: {  	s3 =	rddreg [dreg:$0x2];
	[bflag:$0x3] =	sbarrier.arrive $0xFFFF;
	s2 =	simm.s32 @!p0 $0x1C07  }
0x130: {  	[timem:s3], [sflag:s2] =	dma.local @!p0 [hbm:s0], s1  }
0x131: {  	s0 =	simm.s32 @!p0 $0x7  }
0x132: {  	_ =	swait.ge @!p0 [sflag:s0], s1  }
0x133: {  	s1 =	ssub.s32 @!p0 $0x0, s1;
	[sflag:s0] =	ssyncset.done @!p0 $0x0  }
0x134: {  	[sflag:s0] =	ssyncadd.s32 @!p0 s1  }
0x135: {  	[bflag:$0x3] =	sbarrier.arrive $0xFFFF  }
0x136: {  	_ =	shalt  }

// kernel: sparse-core-data-format-call.cloned.1.call-start
scs
called_computation_lowered:
.L_overlay_start_0:
0x0: {  	s2 =	sld [smem:$0x3FD9]  }
0x1: {  	s3 =	sld [smem:$0x3FFE];
	_ =	sdelay $0x1  }
0x2: {  	s1 =	srdreg.scid  }
0x3: {  	s0 =	sand.u32 $0x1, s1  }
0x4: {  	s18 =	sshll.u32 s0, $0xA;
	s2 =	sadd.s32 s3, s2  }
0x5: {  	s2 =	sadd.s32 s2, s18  }
0x6: {  	[smem:$0x3FC4] =	sst s2  }
0x7: {  	_ = 	snop  }
0x8: {  	s2 =	sld [smem:$0x3FD0];
	(tm) =	ssettm $0x1  }
0x9: {  	s19 =	sld [smem:$0x3FFB];
	_ =	sdelay $0x3  }
0xa: {  	_ =	strace s19  }
0xb: {  	s3 =	sld [smem:$0x3FFC];
	_ =	sdelay $0x3  }
0xc: {  	_ =	strace s3  }
0xd: {  	s3 =	sld [smem:$0x3FFD];
	_ =	sdelay $0x3  }
0xe: {  	_ =	strace s3  }
0xf: {  	_ =	strace $0x8FFFFFFF  }
0x10: {  	s20 =	sld [smem:$0x3FDB];
	_ =	sdelay $0x1  }
0x11: {  	s4 =	simm.s32 $_scs_section_size  }
0x12: {  	s5 =	simm.s32 $_size__tile_overlayer_lowered;
	s6 =	simm.s32 $_tile_overlayer_lowered  }
0x13: {  	s23 =	simm.s32 $0x1BFF;
	s22 =	sshll.u32 s6, $0x1;
	s3 =	sadd.s32 s4, s20  }
0x14: {  	s7 =	simm.s32 $0x0;
	s21 =	sshll.u32 s5, $0x1;
	s5 =	sadd.s32 s22, s3  }
0x15: {  	[timem:s7], [sflag:s23] =	dma.local [hbm:s5], s21  }
0x16: {  	_ =	swait.ge [sflag:s23], s21  }
0x17: {  	s4 =	ssub.s32 $0x0, s21;
	[sflag:s23] =	ssyncset.done $0x0  }
0x18: {  	[sflag:s23] =	ssyncadd.s32 s4;
	_ =	sdelay $0x1  }
0x19: {  	s24 =	simm.s32 $0x1B8B  }
0x1a: {  	_ =	swait.ge [sflag:s24], $0x1  }
0x1b: {  	[sflag:s24] =	ssyncset.done $0x0  }
0x1c: {  	s26 =	simm.s32 $0x1B8E;
	s25 =	sld [smem:$0x3FFE];
	[sflag:s24] =	ssyncadd.s32 $0xFFFFFFFF  }
0x1d: {  	s27 =	simm.s32 $execute0_lowered;
	[smem:$0x3FD2] =	sst s26  }
0x1e: {  	s5 =	sshll.u32 s27, $0x1;
	_ =	strace $0x80000049;
	[dreg:$0x1] =	wrdreg $0xFFFFFFFF  }
0x1f: {  	s28 =	simm.s32 $_size_execute0_lowered;
	s3 =	sadd.s32 s3, s5;
	[dreg:$0x0] =	wrdreg $0x0  }
0x20: {  	s5 =	sshll.u32 s28, $0x1;
	[dreg:$0x2] =	wrdreg s3  }
0x21: {  	[dreg:$0x3] =	wrdreg s5  }
0x22: {  	[dreg:$0x4] =	wrdreg $0xC0  }
0x23: {  	_ =	task [dreg:s7], $0x5FFFF  }
0x24: {  	[dreg:$0x1] =	wrdreg $0xFFFFFFFF  }
0x25: {  	[dreg:$0x0] =	wrdreg $0x60  }
0x26: {  	[dreg:$0x2] =	wrdreg s25  }
0x27: {  	[dreg:$0x3] =	wrdreg s2  }
0x28: {  	[dreg:$0x4] =	wrdreg $0x9  }
0x29: {  	_ =	task.clear_ibuf [dreg:s7], $0x5FFFF;
	_ =	strace $0x90000049  }
0x2a: {  	s29 =	simm.s32 $0x9;
	_ =	strace $0x8000004B  }
0x2b: {  	_ =	swait.ge [sflag:s29], $0x1  }
0x2c: {  	[sflag:s29] =	ssyncadd.s32 $0xFFFFFFFF  }
0x2d: {  	_ =	strace $0x9000004B  }
0x2e: {  	_ =	sfence  }
0x2f: {  	s30 =	sld [smem:$0x0];
	_ =	sdelay $0x2  }
0x30: {  	s31 =	sshll.u32 s1, $0xD;
	s1 =	sshrl.u32 s1, $0x2  }
0x31: {  	s3 =	sand.u32 $0x4000, s31;
	s1 =	sadd.s32 s1, s30  }
0x32: {  	s0 =	sor.u32 s3, s0;
	s1 =	sshll.u32 s1, $0x11  }
0x33: {  	s0 =	sor.u32 s1, s0  }
0x34: {  	s0 =	sadd.s32 $0x8F2B, s0  }
0x35: {  	[sflag:s0] =	ssyncadd.remote.s32 $0x1  }
0x36: {  	_ =	sfence.sel $0xFFFF  }
0x37: {  	[dreg:$0x0] =	wrdreg $0xFFFFFFFF;
	(pc) =	sbr.abs _section_cstart, $3  }
0x38: {  	[dreg:$0x1] =	wrdreg $0xFFFFFFFF  }
0x39: {  	_ =	task.clear_ibuf [dreg:s7], $0x2FFFF;
	_ =	strace $0x9FFFFFFF  }
0x3a: {  	(tm) =	ssettm $0x7FFFFFFF  }
0x3b: {  	_ =	shalt  }
tec
execute0_lowered:
.L_overlay_start_1:
0x0: {  	(tag) =	ssettag $0x1  }
0x1: {  	s0 =	srdreg.scid;
	s6 =	rddreg [dreg:$0x0]  }
0x2: {  	s3 =	rddreg [dreg:$0x1];
	s1 =	sshll.u32 s0, $0x4  }
0x3: {  	s5 =	simm.s32 $0x1;
	s0 =	stileid.u32;
	s1 =	sand.u32 $0x10, s1  }
0x4: {  	s31 =	simm.s32 $0x2;
	s16 =	simm.s32 $0x0;
	s1 =	sor.u32 s0, s1  }
0x5: {  	s8 =	simm.s32 $0x8000;
	s18 =	simm.s32 $0x0;
	s2 =	sshll.u32 s1, $0x7  }
0x6: {  	s17 =	simm.s32 $0x0;
	s9 =	simm.s32 $0x0;
	s4 =	ssub.s32 $0x1000, s2  }
0x7: {  	s10 =	simm.s32 $0x0;
	s11 =	simm.s32 $0x0;
	s30 =	sand.u32 $0xF80, s4  }
0x8: {  	s12 =	simm.s32 $0x0;
	s13 =	simm.s32 $0x0;
	p0 =	sne.s32 s30, $0x0  }
.Ltmp0:
0x9: {  	s7 =	sshrl.u32 s4, $0xC;
	s5 =	simm.s32 @!p0 $0x0;
	(pc) =	sbr.rel .LBB1_1-.Ltmp0, $4  }
0xa: {  	s15 =	simm.s32 $0x0;
	s1 =	rddreg [dreg:$0x2];
	s5 =	sadd.s32 s5, s7  }
0xb: {  	_ =	strace $0x8000004A;
	s4 =	simm.s32 $0x1;
	s5 =	smul.u32 $0xA0, s5  }
0xc: {  	s6 =	sadd.s32 $0xA0A800, s6;
	s14 =	smov.u32 s2;
	[sflag:s4] =	ssyncpa.u1 $0x0  }
0xd: {  	[sflag:s31] =	ssyncpa.u1 $0x0;
	p0 =	por $0x0, $0x0;
	s7 =	sor.u32 $0x1, s5  }
.LBB1_4:
0xe: {  	s23 =	sshra.s32 s23, $0x2;
	s30 =	sshll.u32 s9, $0xC  }
0xf: {  	p1 =	sgt.s32 s10, $0x13;
	s24 =	smov.u32 s10;
	s25 =	sshra.s32 s10, $0x1F  }
0x10: {  	s26 =	sshll.u32 s11, $0x3;
	s28 =	smov.u32 s11;
	s29 =	sshra.s32 s11, $0x1F  }
0x11: {  	s22 =	sadd.s32 s23, s22;
	s24 =	simm.s32 @!p1 $0x13;
	s25 =	sand.u32 s25, s10  }
0x12: {  	s23 =	sand.u32 $0xFFFF8000, s30;
	s27 =	sand.u32 $0xFFFFFC00, s26;
	p1 =	sgt.s32 s9, $0x368  }
0x13: {  	s31 =	sand.u32 s29, s11;
	s29 =	sshll.u32 s9, $0x7;
	s30 =	sshra.s32 s9, $0x1F  }
0x14: {  	[tilespmem:s21+$0x2040 ss:$0x81] =	vst.msk $0xffff, v4;
	s24 =	ssub.s32 s24, s25;
	s23 =	sadd.s32 s27, s23;
	s27 =	smov.u32 s9  }
0x15: {  	[tilespmem:s21+$0x2850 ss:$0x81] =	vst.msk $0xffff, v3;
	s29 =	sand.u32 $0x380, s29;
	s25 =	sadd.s32 $0xFFFFFFED, s24;
	s27 =	simm.s32 @!p1 $0x368  }
0x16: {  	v5 =	vld [tilespmem:s20+$0xFFFFFFD0];
	[tilespmem:s21+$0x3060 ss:$0x81] =	vst.msk $0xffff, v2;
	p1 =	sgt.s32 s11, $0xF80;
	s23 =	sshrl.u32 s23, $0xC;
	s24 =	ssub.s32 $0x14, s24  }
0x17: {  	v58 =	vld [tilespmem:s20+$0xFFFFFFE0];
	[tilespmem:s21+$0x0 ss:$0x81] =	vst.msk $0xffff, v1;
	s28 =	simm.s32 @!p1 $0xF80;
	p1 =	sgt.s32 s25, $0x0;
	s21 =	smulhi.u32 $0x418938, s23  }
0x18: {  	v59 =	vld [tilespmem:s20+$0xFFFFFFF0];
	s25 =	ssub.s32 s28, s31;
	s28 =	sand.u32 s30, s9;
	s24 =	simm.s32 @p1 $0x0  }
0x19: {  	v60 =	vld [tilespmem:s20+$0x0];
	s27 =	ssub.s32 s27, s28;
	s31 =	sadd.s32 $0xFFFFF080, s25;
	s25 =	ssub.s32 $0x1000, s25  }
0x1a: {  	v61 =	vld [tilespmem:s20+$0x10];
	[tilespmem:s22+$0x3870 ss:$0x81] =	vst.msk $0xffff, v0;
	s21 =	smul.u32 $0x3E8, s21;
	s28 =	sand.u32 $0x7, s11;
	p1 =	sgt.s32 s31, $0x7F  }
0x1b: {  	v62 =	vld [tilespmem:s20+$0x20];
	[tilespmem:s22+$0x810 ss:$0x81] =	vst.msk $0xffff, v5;
	s30 =	sadd.s32 $0xFFFFFC98, s27;
	s31 =	sand.u32 $0x78, s11;
	s25 =	simm.s32 @p1 $0x0  }
0x1c: {  	v63 =	vld [tilespmem:s20+$0xFFFFFFC0];
	[tilespmem:s22+$0x1020 ss:$0x81] =	vst.msk $0xffff, v58;
	p1 =	sgt.s32 s30, $0x7F;
	s30 =	sand.u32 $0xC00, s26;
	s24 =	smul.u32 s25, s24  }
0x1d: {  	[tilespmem:s22+$0x1830 ss:$0x81] =	vst.msk $0xffff, v59;
	s26 =	ssub.s32 $0x3E8, s27;
	s20 =	sor.u32 s31, s30;
	s31 =	smul.u32 $0x7D000, s10  }
0x1e: {  	[tilespmem:s22+$0x2040 ss:$0x81] =	vst.msk $0xffff, v60;
	s21 =	ssub.s32 s23, s21;
	s26 =	simm.s32 @p1 $0x0;
	s20 =	sor.u32 s29, s20  }
0x1f: {  	[tilespmem:s22+$0x2850 ss:$0x81] =	vst.msk $0xffff, v61;
	s26 =	smul.u32 s26, s24;
	s20 =	sshrl.u32 s20, $0x3;
	s27 =	sadd.s32 s3, s31  }
0x20: {  	[tilespmem:s22+$0x3060 ss:$0x81] =	vst.msk $0xffff, v62;
	s21 =	sshll.u32 s21, $0x9;
	s29 =	sshll.u32 s28, $0x12;
	s20 =	sadd.s32 s20, s27  }
0x21: {  	[tilespmem:s22+$0x0 ss:$0x81] =	vst.msk $0xffff, v63;
	s31 =	sor.u32 $0x400, s29;
	s30 =	sand.u32 $0x3FFFFFFF, s26;
	s20 =	sadd.s32 s21, s20  }
0x22: {  	[hbm4b:s20+s31] =	stream.strided.scatter [tilespmem:s19], [sflag:$0x2], s30, s8, s31, $0x20;
	[tilespmem:$0x10100] =	vst v63  }
.LBB1_5:
0x23: {  	p1 =	slt.u32 s15, $0x2  }
0x24: {  	p2 =	sgt.s32 @!p1 s18, $0x13  }
0x25: {  	s19 =	smov.u32 s18;
	s20 =	sshra.s32 @!p1 s18, $0x1F;
	p2 =	por !p2, p1  }
0x26: {  	s18 =	sand.u32 @!p1 s20, s18;
	s19 =	simm.s32 @p2 $0x13  }
0x27: {  	p3 =	sgt.s32 @!p1 s16, $0x368;
	s18 =	ssub.s32 @!p1 s19, s18  }
0x28: {  	p4 =	sgt.s32 @!p1 s17, $0xF80;
	s21 =	sshra.s32 @!p1 s17, $0x1F;
	s19 =	sadd.s32 @!p1 $0xFFFFFFED, s18  }
0x29: {  	s20 =	smov.u32 s16;
	p2 =	sgt.s32 @!p1 s19, $0x0;
	s19 =	sshra.s32 @!p1 s16, $0x1F  }
0x2a: {  	p4 =	por !p4, p1;
	s16 =	sand.u32 @!p1 s19, s16;
	s19 =	smov.u32 s17  }
0x2b: {  	p3 =	por !p3, p1;
	s17 =	sand.u32 @!p1 s21, s17;
	s19 =	simm.s32 @p4 $0xF80  }
0x2c: {  	s20 =	simm.s32 @p3 $0x368;
	s18 =	ssub.s32 @!p1 $0x14, s18;
	s17 =	ssub.s32 @!p1 s19, s17  }
0x2d: {  	p2 =	por !p2, p1;
	s16 =	ssub.s32 @!p1 s20, s16;
	s20 =	sadd.s32 @!p1 $0xFFFFF080, s17  }
0x2e: {  	s18 =	simm.s32 @!p2 $0x0;
	p3 =	sgt.s32 @!p1 s20, $0x7F  }
0x2f: {  	s19 =	sadd.s32 @!p1 $0xFFFFFC98, s16;
	s17 =	ssub.s32 @!p1 $0x1000, s17;
	p3 =	por !p3, p1  }
0x30: {  	p2 =	sgt.s32 @!p1 s19, $0x7F;
	s19 =	sadd.s32 $0x80, s12;
	s17 =	simm.s32 @!p3 $0x0  }
0x31: {  	p3 =	sgt.s32 s19, $0x3E7;
	s17 =	smul.u32 @!p1 s17, s18;
	s18 =	simm.s32 $0x1  }
0x32: {  	s16 =	ssub.s32 @!p1 $0x3E8, s16;
	p2 =	por !p2, p1;
	s18 =	simm.s32 @!p3 $0x0  }
0x33: {  	s21 =	smov.u32 s14;
	s16 =	simm.s32 @!p2 $0x0;
	s20 =	sadd.s32 s18, s13  }
0x34: {  	s16 =	smul.u32 @!p1 s16, s17;
	s17 =	sadd.s32 $0x1000, s14;
	p2 =	sgt.s32 s20, $0x13  }
0x35: {  	p0 =	por !p0, !p0;
	s22 =	simm.s32 @!p1 $0x2;
	s21 =	smov.u32 @p2 s17  }
0x36: {  	s19 =	simm.s32 @p3 $0x0;
	s20 =	simm.s32 @p2 $0x0;
	p2 =	sgt.s32 s21, $0xFFF  }
0x37: {  	s18 =	smov.u32 s10;
	s21 =	smov.u32 @p2 s2;
	p2 =	sne.s32 s15, s7  }
.Ltmp1:
0x38: {  	s10 =	smov.u32 s13;
	s16 =	sand.u32 @!p1 $0x3FFFFFFF, s16;
	(pc) =	sbr.rel @!p2 .LBB1_6-.Ltmp1, $4  }
0x39: {  	s17 =	smov.u32 s11;
	s11 =	smov.u32 s14;
	_ =	swait.ge @!p1 [sflag:s22], s16  }
0x3a: {  	s23 =	ssub.s32 @!p1 $0x0, s16;
	s16 =	smov.u32 s9;
	s9 =	smov.u32 s12  }
0x3b: {  	s12 =	smov.u32 s19;
	s13 =	smov.u32 s20;
	[sflag:s22] =	ssyncset.done @!p1 $0x0  }
0x3c: {  	s15 =	sadd.s32 $0x1, s15;
	[sflag:s22] =	ssyncadd.s32 @!p1 s23;
	s14 =	smov.u32 s21  }
.LBB1_1:
0x3d: {  	p1 =	sge.u32 s15, s5  }
0x3e: {  	s19 =	sshll.u32 @!p1 s13, $0xA  }
0x3f: {  	s20 =	sshll.u32 @!p1 s12, $0x3;
	s19 =	sand.u32 @!p1 $0xFFFFE000, s19  }
0x40: {  	s19 =	sadd.s32 @!p1 s19, s20  }
0x41: {  	s19 =	sshrl.u32 @!p1 s19, $0xA  }
0x42: {  	s20 =	smulhi.u32 @!p1 $0xAAAAAAB, s19  }
0x43: {  	s21 =	sshll.u32 @!p1 s13, $0x7;
	s23 =	smul.u32 @!p1 $0xC00, s14  }
0x44: {  	s22 =	sand.u32 @!p1 $0x78, s12;
	s21 =	sand.u32 @!p1 $0x380, s21;
	s20 =	smul.u32 @!p1 $0x18, s20  }
0x45: {  	s31 =	sadd.s32 $0xFFFFFFFF, s15;
	s21 =	sor.u32 @!p1 s22, s21;
	s22 =	sadd.s32 @!p1 s6, s23  }
0x46: {  	s21 =	sshrl.u32 @!p1 s21, $0x3;
	s19 =	ssub.s32 @!p1 s19, s20;
	s20 =	sxor.u32 @!p1 $0xFFFFFFFF, s15  }
0x47: {  	s21 =	sadd.s32 @!p1 s21, s22;
	s22 =	sand.u32 @!p1 $0x7, s12;
	s20 =	sshll.u32 @!p1 s20, $0xE  }
0x48: {  	s22 =	sshll.u32 @!p1 s22, $0x12;
	s19 =	sshll.u32 @!p1 s19, $0x7;
	s20 =	sand.u32 @!p1 $0x4000, s20  }
0x49: {  	s19 =	sadd.s32 @!p1 s19, s21;
	s21 =	sor.u32 @!p1 $0x80, s22;
	s22 =	simm.s32 @!p1 $0x6000  }
0x4a: {  	[tilespmem:s20], [sflag:$0x1] =	stream.strided.gather @!p1 [hbm4b:s19+s21], $0x4000, s22, s21, $0x38;
	[tilespmem:$0x10100] =	vst v63  }
0x4b: {  	p1 =	sge.u32 s31, s5  }
.Ltmp2:
0x4c: {  	_ = 	snop;
	(pc) =	sbr.rel @p1 .LBB1_5-.Ltmp2, $1  }
0x4d: {  	_ =	sdelay $0x3  }
0x4e: {  	s19 =	simm.s32 $0x1  }
0x4f: {  	_ =	swait.ge [sflag:s4], $0x4000;
	s19 =	simm.s32 @!p0 $0x0  }
0x50: {  	[sflag:s4] =	ssyncset.done $0x0;
	s20 =	sshll.u32 s19, $0xE  }
0x51: {  	[sflag:s4] =	ssyncadd.s32 $0xFFFFC000;
	s20 =	sor.u32 $0x40, s20  }
0x52: {  	s19 =	smul.u32 $0x10200, s19;
	v0 =	vld [tilespmem:s20+$0x30]  }
0x53: {  	v1 =	vld [tilespmem:s20+$0xFFFFFFD0]  }
0x54: {  	s19 =	sshrl.u32 s19, $0x2;
	v5 =	vld [tilespmem:s20+$0xFFFFFFE0]  }
0x55: {  	v6 =	vld [tilespmem:s20+$0xFFFFFFF0];
	s22 =	sor.u32 $0x8000, s19  }
0x56: {  	s31 =	sand.u32 $0x1, s15;
	v4 =	vld [tilespmem:s20+$0x0];
	s21 =	sadd.s32 $0x0, s22  }
0x57: {  	v3 =	vld [tilespmem:s20+$0x10];
	s19 =	smul.u32 $0x10200, s31;
	[tilespmem:s21+$0x3870 ss:$0x81] =	vst.msk $0xffff, v0  }
0x58: {  	v2 =	vld [tilespmem:s20+$0x20];
	[tilespmem:s21+$0x810 ss:$0x81] =	vst.msk $0xffff, v1  }
0x59: {  	s19 =	sshrl.u32 s19, $0x2;
	v1 =	vld [tilespmem:s20+$0xFFFFFFC0];
	[tilespmem:s21+$0x1020 ss:$0x81] =	vst.msk $0xffff, v5;
	s20 =	sadd.s32 $0x80, s20  }
0x5a: {  	s23 =	simm.s32 $0x4;
	s24 =	simm.s32 $0x8;
	s19 =	sor.u32 $0x8000, s19;
	[tilespmem:s21+$0x1830 ss:$0x81] =	vst.msk $0xffff, v6;
	v0 =	vld [tilespmem:s20+$0x30]  }
.LBB1_3:
0x5b: {  	p1 =	sne.s32 s24, $0x1FC;
	v5 =	vld [tilespmem:s20+$0xFFFFFFD0];
	[tilespmem:s21+$0x2040 ss:$0x81] =	vst.msk $0xffff, v4  }
0x5c: {  	v6 =	vld [tilespmem:s20+$0xFFFFFFE0];
	[tilespmem:s21+$0x2850 ss:$0x81] =	vst.msk $0xffff, v3  }
0x5d: {  	s25 =	sshra.s32 s23, $0x2;
	s23 =	smov.u32 s24;
	v7 =	vld [tilespmem:s20+$0xFFFFFFF0];
	[tilespmem:s21+$0x3060 ss:$0x81] =	vst.msk $0xffff, v2  }
.Ltmp3:
0x5e: {  	v4 =	vld [tilespmem:s20+$0x0];
	[tilespmem:s21+$0x0 ss:$0x81] =	vst.msk $0xffff, v1;
	s21 =	sadd.s32 s25, s22;
	(pc) =	sbr.rel @p1 .LBB1_3-.Ltmp3, $4  }
0x5f: {  	v3 =	vld [tilespmem:s20+$0x10];
	[tilespmem:s21+$0x3870 ss:$0x81] =	vst.msk $0xffff, v0  }
0x60: {  	[tilespmem:s21+$0x810 ss:$0x81] =	vst.msk $0xffff, v5;
	v2 =	vld [tilespmem:s20+$0x20]  }
0x61: {  	v1 =	vld [tilespmem:s20+$0xFFFFFFC0];
	[tilespmem:s21+$0x1020 ss:$0x81] =	vst.msk $0xffff, v6;
	s20 =	sadd.s32 $0x80, s20  }
0x62: {  	s24 =	sadd.s32 $0x4, s24;
	v0 =	vld [tilespmem:s20+$0x30];
	[tilespmem:s21+$0x1830 ss:$0x81] =	vst.msk $0xffff, v7  }
.Ltmp4:
0x63: {  	_ = 	snop;
	(pc) =	sbr.rel .LBB1_4-.Ltmp4, $1  }
0x64: {  	_ =	sdelay $0x3  }
.LBB1_6:
0x65: {  	_ =	sfence.sel $0x180000  }
0x66: {  	s2 =	simm.s32 $0x1;
	[bflag:$0x0] =	sbarrier.arrive $0xFFFF  }
0x67: {  	s31 =	simm.s32 $0x2;
	[sflag:s2] =	ssyncpa.u1 $0x1  }
0x68: {  	[sflag:s31] =	ssyncpa.u1 $0x1  }
0x69: {  	p0 =	sne.s32 s0, $0x0;
	_ =	strace $0x9000004A  }
0x6a: {  	s0 =	sadd.s32 @!p0 $0x100000, s1;
	[bflag:$0x2] =	sbarrier.arrive $0xFFFF  }
0x6b: {  	[sflag:s0] =	ssyncadd.tile.s32 @!p0 $0x1;
	_ =	shalt  }
.Lfunc_end1:
_tile_overlayer_lowered:
.L_overlay_start_2:
0x6c: {  	(tag) =	ssettag $0x2  }
0x6d: {  	s0 =	rddreg [dreg:$0x0];
	s2 =	stileid.u32  }
0x6e: {  	s1 =	rddreg [dreg:$0x1];
	p0 =	sne.s32 s2, $0x0  }
0x6f: {  	s3 =	rddreg [dreg:$0x2];
	[bflag:$0x3] =	sbarrier.arrive $0xFFFF;
	s2 =	simm.s32 @!p0 $0x1C01  }
0x70: {  	[timem:s3], [sflag:s2] =	dma.local @!p0 [hbm:s0], s1  }
0x71: {  	s0 =	simm.s32 @!p0 $0x1  }
0x72: {  	_ =	swait.ge @!p0 [sflag:s0], s1  }
0x73: {  	s1 =	ssub.s32 @!p0 $0x0, s1;
	[sflag:s0] =	ssyncset.done @!p0 $0x0  }
0x74: {  	[sflag:s0] =	ssyncadd.s32 @!p0 s1  }
0x75: {  	[bflag:$0x3] =	sbarrier.arrive $0xFFFF  }
0x76: {  	_ =	shalt  }

</sc_bundles>
